<compile_context>
chip_gen: v7x
topology: tpu7x:2x2x1
jax: 0.10.2.dev20260603
libtpu: 0.0.44.dev20260713+nightly
codegen_flags: <defaults>
</compile_context>

<pallas_src>
import jax
import jax.numpy as jnp
from jax import lax
from jax.experimental import pallas as pl
from jax.experimental.pallas import tpu as pltpu
from jax.experimental.pallas import tpu_sc as plsc

N = 16384
SLOTS = 4
P = 33
DELTA = 1.0 / 4200.0 * 5.0
STEP = 2.0 * DELTA / (SLOTS - 1)

NC = 2
NS = 16
L = 16
NW = NC * NS
XC = N // NW
ROWS = XC * SLOTS // 128
NCHUNK = XC // L


def _sc_body(x_hbm, y_hbm, out_hbm, x_v, y_v, out_v):
    wid = lax.axis_index("s") * NC + lax.axis_index("c")

    pltpu.sync_copy(x_hbm.at[pl.ds(wid * XC, XC)], x_v)
    pltpu.sync_copy(y_hbm, y_v)

    iota = lax.iota(jnp.int32, L)
    zeros = iota & 0

    def body(j, _):
        trow = lax.shift_right_logical(j, 3) * SLOTS
        col = (j & 7) * L
        xv = x_v[pl.ds(j * L, L)]
        t0 = xv * 32.0
        for s in range(SLOTS):
            t = t0 + (s * STEP - DELTA) * 32.0
            k = t.astype(jnp.int32)
            k = jnp.minimum(jnp.maximum(k, 0), P - 2)
            y1 = plsc.load_gather(y_v, [zeros, k])
            y2 = plsc.load_gather(y_v, [zeros, k + 1])
            w = t - k.astype(jnp.float32)
            out_v[trow + s, pl.ds(col, L)] = y1 + w * (y2 - y1)
        return _

    lax.fori_loop(0, NCHUNK, body, 0, unroll=4)

    pltpu.sync_copy(out_v, out_hbm.at[pl.ds(wid * ROWS, ROWS)])


@jax.jit
def kernel(x, y_points):
    mesh = plsc.VectorSubcoreMesh(core_axis_name="c", subcore_axis_name="s")
    run = pl.kernel(
        _sc_body,
        out_type=jax.ShapeDtypeStruct((N * SLOTS // 128, 128), jnp.float32),
        mesh=mesh,
        scratch_types=[
            pltpu.VMEM((XC,), jnp.float32),
            pltpu.VMEM((1, P), jnp.float32),
            pltpu.VMEM((ROWS, 128), jnp.float32),
        ],
        compiler_params=pltpu.CompilerParams(needs_layout_passes=False),
    )
    r = run(x, y_points)
    return r.reshape(N // 128, SLOTS, 128).swapaxes(1, 2).reshape(N, SLOTS)

# --- scband reference (transcript-rebuilt; emitter-appended) ---
"""Pipeline reference for scband-index-module-8306466750994 (READ-ONLY COPY).

The authoritative reference and input builder live on the scoring server;
editing this copy changes nothing except your own understanding.
"""

import jax, jax.numpy as jnp
import numpy as np

Y_POINTS = [[0.0, 0.125, 0.25, 0.375, 0.5, 0.625, 0.75, 0.0, 0.125, 0.25, 0.375, 0.5, 0.625, 0.75, 0.0, 0.125, 0.25, 0.375, 0.5, 0.625, 0.75, 0.0, 0.125, 0.25, 0.375, 0.5, 0.625, 0.75, 0.0, 0.125, 0.25, 0.375, 0.5]]
DELTA = 1.0 / 4200.0 * 5.0
SLOTS = 4
N = 16384


def setup_inputs(seed: int = 0) -> dict:
    key = jax.random.key(seed)
    x = jax.random.uniform(key, (N,), dtype=jnp.float32)
    y_points = jnp.array(Y_POINTS, dtype=jnp.float32)
    return {"x": x, "y_points": y_points}


def reference(x, y_points):
    # IndexModule.forward (the per-element print loop is a side effect with no
    # numeric consequence and is omitted).
    n = x.shape[0]
    offsets = jnp.linspace(-DELTA, DELTA, SLOTS).astype(jnp.float32)
    xf = (x[:, None] + offsets[None, :]).reshape(-1)  # [SLOTS * N]
    b, p = y_points.shape
    x_points = jnp.linspace(0.0, 1.0, p).astype(jnp.float32)
    # LinearInterpolationModule.forward: x_points rows are identical, so a 1-D
    # searchsorted reproduces torch.searchsorted on the expanded [b, 4N] grid.
    idxs = jnp.searchsorted(x_points, xf, side='right') - 1
    idxs = jnp.clip(idxs, 0, p - 2)
    x1 = jnp.take(x_points, idxs)
    x2 = jnp.take(x_points, idxs + 1)
    idx_b = jnp.broadcast_to(idxs[None, :], (b, idxs.shape[0]))
    y1 = jnp.take_along_axis(y_points, idx_b, axis=1)
    y2 = jnp.take_along_axis(y_points, idx_b + 1, axis=1)
    w = (xf - x1) / (x2 - x1)
    y_interp = y1 + w[None, :] * (y2 - y1)  # [b, SLOTS * N]
    return y_interp.reshape(n, -1)  # [N, SLOTS * b]

if __name__ == "__main__":
    import jax
    _d = setup_inputs()
    print(jax.jit(kernel)(*tuple(_d.values())))

</pallas_src>

<mosaic_0001>
#map = affine_map<(d0, d1) -> (0)>
#map1 = affine_map<(d0, d1) -> (0, 0)>
module attributes {stable_mosaic.version = 14 : i64} {
  func.func @_sc_body(%arg0: i32, %arg1: i32, %arg2: memref<16384xf32, #tpu.memory_space<hbm>>, %arg3: memref<1x33xf32, #tpu.memory_space<hbm>>, %arg4: memref<512x128xf32, #tpu.memory_space<hbm>>, %arg5: memref<512xf32, #tpu.memory_space<vmem>>, %arg6: memref<1x33xf32, #tpu.memory_space<vmem>>, %arg7: memref<16x128xf32, #tpu.memory_space<vmem>>) attributes {dimension_semantics = [#tpu.dimension_semantics<core_parallel>, #tpu.dimension_semantics<subcore_parallel>], iteration_bounds = array<i64: 2, 16>, scalar_prefetch = 0 : i64, scratch_operands = 3 : i64, tpu.core_type = #tpu.core_type<sc_vector_subcore>, window_params = [{transform_indices = #map}, {transform_indices = #map1}, {transform_indices = #map1}]} {
    %mul3A = arith.constant 2 : i32
    %mul3A_0 = arith.muli %arg1, %mul3A : i32
    %add3A = arith.addi %mul3A_0, %arg0 : i32
    %mul3A_1 = arith.constant 512 : i32
    %mul3A_2 = arith.muli %add3A, %mul3A_1 : i32
    "tpu.region"() ({
      %run_scoped3A = tpu.sem_alloc : memref<!tpu.dma_semaphore, #tpu.memory_space<semaphore_mem>>
      %dma_start3A = tpu.memref_slice %arg2[%mul3A_2] : memref<16384xf32, #tpu.memory_space<hbm>> -> memref<512xf32, #tpu.memory_space<hbm>>
      %dma_start3A_12 = tpu.memref_slice %arg2[%mul3A_2] : memref<16384xf32, #tpu.memory_space<hbm>> -> memref<512xf32, #tpu.memory_space<hbm>>
      tpu.enqueue_dma source(%dma_start3A_12 : memref<512xf32, #tpu.memory_space<hbm>>) target(%arg5 : memref<512xf32, #tpu.memory_space<vmem>>) target_semaphore(%run_scoped3A : memref<!tpu.dma_semaphore, #tpu.memory_space<semaphore_mem>>)
      %dma_wait3A = tpu.memref_slice %arg2[%mul3A_2] : memref<16384xf32, #tpu.memory_space<hbm>> -> memref<512xf32, #tpu.memory_space<hbm>>
      %dma_wait3A_13 = tpu.memref_slice %arg2[%mul3A_2] : memref<16384xf32, #tpu.memory_space<hbm>> -> memref<512xf32, #tpu.memory_space<hbm>>
      tpu.wait_dma2 semaphore(%run_scoped3A : memref<!tpu.dma_semaphore, #tpu.memory_space<semaphore_mem>>) src(%dma_wait3A_13 : memref<512xf32, #tpu.memory_space<hbm>>) dst(%arg5 : memref<512xf32, #tpu.memory_space<vmem>>)
      tpu.yield
    }) : () -> ()
    "tpu.region"() ({
      %run_scoped3A = tpu.sem_alloc : memref<!tpu.dma_semaphore, #tpu.memory_space<semaphore_mem>>
      tpu.enqueue_dma source(%arg3 : memref<1x33xf32, #tpu.memory_space<hbm>>) target(%arg6 : memref<1x33xf32, #tpu.memory_space<vmem>>) target_semaphore(%run_scoped3A : memref<!tpu.dma_semaphore, #tpu.memory_space<semaphore_mem>>)
      tpu.wait_dma2 semaphore(%run_scoped3A : memref<!tpu.dma_semaphore, #tpu.memory_space<semaphore_mem>>) src(%arg3 : memref<1x33xf32, #tpu.memory_space<hbm>>) dst(%arg6 : memref<1x33xf32, #tpu.memory_space<vmem>>)
      tpu.yield
    }) : () -> ()
    %iota3A = tpu.iota {dimensions = array<i32: 0>} : vector<16xi32>
    %and3A = arith.constant 0 : i32
    %and3A_3 = vector.broadcast %and3A : i32 to vector<16xi32>
    %and3A_4 = arith.andi %iota3A, %and3A_3 : vector<16xi32>
    %scan3A = arith.constant 0 : i32
    %scan3A_5 = arith.constant 0 : i32
    %scan3A_6 = arith.constant 32 : i32
    %scan3A_7 = arith.addi %scan3A_5, %scan3A_6 : i32
    %scan3A_8 = arith.constant 4 : i32
    scf.for %scan3A_12 = %scan3A_5 to %scan3A_7 step %scan3A_8  : i32 {
      %shift_right_logical3A = arith.constant 3 : i32
      %shift_right_logical3A_13 = arith.shrui %scan3A_12, %shift_right_logical3A : i32
      %mul3A_14 = arith.constant 4 : i32
      %mul3A_15 = arith.muli %shift_right_logical3A_13, %mul3A_14 : i32
      %and3A_16 = arith.constant 7 : i32
      %and3A_17 = arith.andi %scan3A_12, %and3A_16 : i32
      %mul3A_18 = arith.constant 16 : i32
      %mul3A_19 = arith.muli %and3A_17, %mul3A_18 : i32
      %mul3A_20 = arith.constant 16 : i32
      %mul3A_21 = arith.muli %scan3A_12, %mul3A_20 : i32
      %get3A = arith.index_cast %mul3A_21 : i32 to index
      %get3A_22 = tpu.vector_load %arg5[%get3A] {strides = array<i32>} : memref<512xf32, #tpu.memory_space<vmem>>, vector<16xf32>,
      %mul3A_23 = arith.constant 3.200000e+01 : f32
      %mul3A_24 = vector.broadcast %mul3A_23 : f32 to vector<16xf32>
      %mul3A_25 = arith.mulf %get3A_22, %mul3A_24 : vector<16xf32>
      %add3A_26 = arith.constant -0.0380952395 : f32
      %add3A_27 = vector.broadcast %add3A_26 : f32 to vector<16xf32>
      %add3A_28 = arith.addf %mul3A_25, %add3A_27 : vector<16xf32>
      %convert_element_type3A = arith.fptosi %add3A_28 : vector<16xf32> to vector<16xi32>
      %max3A = arith.constant 0 : i32
      %max3A_29 = vector.broadcast %max3A : i32 to vector<16xi32>
      %max3A_30 = arith.maxsi %convert_element_type3A, %max3A_29 : vector<16xi32>
      %min3A = arith.constant 31 : i32
      %min3A_31 = vector.broadcast %min3A : i32 to vector<16xi32>
      %min3A_32 = arith.minsi %max3A_30, %min3A_31 : vector<16xi32>
      %gather3A = tpu.vector_load_idx %arg6[%and3A_4, %min3A_32] : memref<1x33xf32, #tpu.memory_space<vmem>>[vector<16xi32>, vector<16xi32>], vector<16xf32>,
      %add3A_33 = arith.constant 1 : i32
      %add3A_34 = vector.broadcast %add3A_33 : i32 to vector<16xi32>
      %add3A_35 = arith.addi %min3A_32, %add3A_34 : vector<16xi32>
      %gather3A_36 = tpu.vector_load_idx %arg6[%and3A_4, %add3A_35] : memref<1x33xf32, #tpu.memory_space<vmem>>[vector<16xi32>, vector<16xi32>], vector<16xf32>,
      %convert_element_type3A_37 = arith.sitofp %min3A_32 : vector<16xi32> to vector<16xf32>
      %sub3A = arith.subf %add3A_28, %convert_element_type3A_37 : vector<16xf32>
      %sub3A_38 = arith.subf %gather3A_36, %gather3A : vector<16xf32>
      %mul3A_39 = arith.mulf %sub3A, %sub3A_38 : vector<16xf32>
      %add3A_40 = arith.addf %gather3A, %mul3A_39 : vector<16xf32>
      %add3A_41 = arith.constant 0 : i32
      %add3A_42 = arith.addi %mul3A_15, %add3A_41 : i32
      %swap3A = arith.index_cast %add3A_42 : i32 to index
      %swap3A_43 = arith.index_cast %mul3A_19 : i32 to index
      %swap3A_44 = tpu.vector_load %arg7[%swap3A, %swap3A_43] {strides = array<i32>} : memref<16x128xf32, #tpu.memory_space<vmem>>, vector<16xf32>,
      tpu.vector_store %arg7[%swap3A, %swap3A_43], %add3A_40 {strides = array<i32>} : memref<16x128xf32, #tpu.memory_space<vmem>>, vector<16xf32>,
      %add3A_45 = arith.constant -0.0126984129 : f32
      %add3A_46 = vector.broadcast %add3A_45 : f32 to vector<16xf32>
      %add3A_47 = arith.addf %mul3A_25, %add3A_46 : vector<16xf32>
      %convert_element_type3A_48 = arith.fptosi %add3A_47 : vector<16xf32> to vector<16xi32>
      %max3A_49 = arith.constant 0 : i32
      %max3A_50 = vector.broadcast %max3A_49 : i32 to vector<16xi32>
      %max3A_51 = arith.maxsi %convert_element_type3A_48, %max3A_50 : vector<16xi32>
      %min3A_52 = arith.constant 31 : i32
      %min3A_53 = vector.broadcast %min3A_52 : i32 to vector<16xi32>
      %min3A_54 = arith.minsi %max3A_51, %min3A_53 : vector<16xi32>
      %gather3A_55 = tpu.vector_load_idx %arg6[%and3A_4, %min3A_54] : memref<1x33xf32, #tpu.memory_space<vmem>>[vector<16xi32>, vector<16xi32>], vector<16xf32>,
      %add3A_56 = arith.constant 1 : i32
      %add3A_57 = vector.broadcast %add3A_56 : i32 to vector<16xi32>
      %add3A_58 = arith.addi %min3A_54, %add3A_57 : vector<16xi32>
      %gather3A_59 = tpu.vector_load_idx %arg6[%and3A_4, %add3A_58] : memref<1x33xf32, #tpu.memory_space<vmem>>[vector<16xi32>, vector<16xi32>], vector<16xf32>,
      %convert_element_type3A_60 = arith.sitofp %min3A_54 : vector<16xi32> to vector<16xf32>
      %sub3A_61 = arith.subf %add3A_47, %convert_element_type3A_60 : vector<16xf32>
      %sub3A_62 = arith.subf %gather3A_59, %gather3A_55 : vector<16xf32>
      %mul3A_63 = arith.mulf %sub3A_61, %sub3A_62 : vector<16xf32>
      %add3A_64 = arith.addf %gather3A_55, %mul3A_63 : vector<16xf32>
      %add3A_65 = arith.constant 1 : i32
      %add3A_66 = arith.addi %mul3A_15, %add3A_65 : i32
      %swap3A_67 = arith.index_cast %add3A_66 : i32 to index
      %swap3A_68 = arith.index_cast %mul3A_19 : i32 to index
      %swap3A_69 = tpu.vector_load %arg7[%swap3A_67, %swap3A_68] {strides = array<i32>} : memref<16x128xf32, #tpu.memory_space<vmem>>, vector<16xf32>,
      tpu.vector_store %arg7[%swap3A_67, %swap3A_68], %add3A_64 {strides = array<i32>} : memref<16x128xf32, #tpu.memory_space<vmem>>, vector<16xf32>,
      %add3A_70 = arith.constant 0.0126984129 : f32
      %add3A_71 = vector.broadcast %add3A_70 : f32 to vector<16xf32>
      %add3A_72 = arith.addf %mul3A_25, %add3A_71 : vector<16xf32>
      %convert_element_type3A_73 = arith.fptosi %add3A_72 : vector<16xf32> to vector<16xi32>
      %max3A_74 = arith.constant 0 : i32
      %max3A_75 = vector.broadcast %max3A_74 : i32 to vector<16xi32>
      %max3A_76 = arith.maxsi %convert_element_type3A_73, %max3A_75 : vector<16xi32>
      %min3A_77 = arith.constant 31 : i32
      %min3A_78 = vector.broadcast %min3A_77 : i32 to vector<16xi32>
      %min3A_79 = arith.minsi %max3A_76, %min3A_78 : vector<16xi32>
      %gather3A_80 = tpu.vector_load_idx %arg6[%and3A_4, %min3A_79] : memref<1x33xf32, #tpu.memory_space<vmem>>[vector<16xi32>, vector<16xi32>], vector<16xf32>,
      %add3A_81 = arith.constant 1 : i32
      %add3A_82 = vector.broadcast %add3A_81 : i32 to vector<16xi32>
      %add3A_83 = arith.addi %min3A_79, %add3A_82 : vector<16xi32>
      %gather3A_84 = tpu.vector_load_idx %arg6[%and3A_4, %add3A_83] : memref<1x33xf32, #tpu.memory_space<vmem>>[vector<16xi32>, vector<16xi32>], vector<16xf32>,
      %convert_element_type3A_85 = arith.sitofp %min3A_79 : vector<16xi32> to vector<16xf32>
      %sub3A_86 = arith.subf %add3A_72, %convert_element_type3A_85 : vector<16xf32>
      %sub3A_87 = arith.subf %gather3A_84, %gather3A_80 : vector<16xf32>
      %mul3A_88 = arith.mulf %sub3A_86, %sub3A_87 : vector<16xf32>
      %add3A_89 = arith.addf %gather3A_80, %mul3A_88 : vector<16xf32>
      %add3A_90 = arith.constant 2 : i32
      %add3A_91 = arith.addi %mul3A_15, %add3A_90 : i32
      %swap3A_92 = arith.index_cast %add3A_91 : i32 to index
      %swap3A_93 = arith.index_cast %mul3A_19 : i32 to index
      %swap3A_94 = tpu.vector_load %arg7[%swap3A_92, %swap3A_93] {strides = array<i32>} : memref<16x128xf32, #tpu.memory_space<vmem>>, vector<16xf32>,
      tpu.vector_store %arg7[%swap3A_92, %swap3A_93], %add3A_89 {strides = array<i32>} : memref<16x128xf32, #tpu.memory_space<vmem>>, vector<16xf32>,
      %add3A_95 = arith.constant 0.0380952395 : f32
      %add3A_96 = vector.broadcast %add3A_95 : f32 to vector<16xf32>
      %add3A_97 = arith.addf %mul3A_25, %add3A_96 : vector<16xf32>
      %convert_element_type3A_98 = arith.fptosi %add3A_97 : vector<16xf32> to vector<16xi32>
      %max3A_99 = arith.constant 0 : i32
      %max3A_100 = vector.broadcast %max3A_99 : i32 to vector<16xi32>
      %max3A_101 = arith.maxsi %convert_element_type3A_98, %max3A_100 : vector<16xi32>
      %min3A_102 = arith.constant 31 : i32
      %min3A_103 = vector.broadcast %min3A_102 : i32 to vector<16xi32>
      %min3A_104 = arith.minsi %max3A_101, %min3A_103 : vector<16xi32>
      %gather3A_105 = tpu.vector_load_idx %arg6[%and3A_4, %min3A_104] : memref<1x33xf32, #tpu.memory_space<vmem>>[vector<16xi32>, vector<16xi32>], vector<16xf32>,
      %add3A_106 = arith.constant 1 : i32
      %add3A_107 = vector.broadcast %add3A_106 : i32 to vector<16xi32>
      %add3A_108 = arith.addi %min3A_104, %add3A_107 : vector<16xi32>
      %gather3A_109 = tpu.vector_load_idx %arg6[%and3A_4, %add3A_108] : memref<1x33xf32, #tpu.memory_space<vmem>>[vector<16xi32>, vector<16xi32>], vector<16xf32>,
      %convert_element_type3A_110 = arith.sitofp %min3A_104 : vector<16xi32> to vector<16xf32>
      %sub3A_111 = arith.subf %add3A_97, %convert_element_type3A_110 : vector<16xf32>
      %sub3A_112 = arith.subf %gather3A_109, %gather3A_105 : vector<16xf32>
      %mul3A_113 = arith.mulf %sub3A_111, %sub3A_112 : vector<16xf32>
      %add3A_114 = arith.addf %gather3A_105, %mul3A_113 : vector<16xf32>
      %add3A_115 = arith.constant 3 : i32
      %add3A_116 = arith.addi %mul3A_15, %add3A_115 : i32
      %swap3A_117 = arith.index_cast %add3A_116 : i32 to index
      %swap3A_118 = arith.index_cast %mul3A_19 : i32 to index
      %swap3A_119 = tpu.vector_load %arg7[%swap3A_117, %swap3A_118] {strides = array<i32>} : memref<16x128xf32, #tpu.memory_space<vmem>>, vector<16xf32>,
      tpu.vector_store %arg7[%swap3A_117, %swap3A_118], %add3A_114 {strides = array<i32>} : memref<16x128xf32, #tpu.memory_space<vmem>>, vector<16xf32>,
      %scan3A_120 = arith.constant 1 : i32
      %scan3A_121 = arith.addi %scan3A_12, %scan3A_120 : i32
      %shift_right_logical3A_122 = arith.constant 3 : i32
      %shift_right_logical3A_123 = arith.shrui %scan3A_121, %shift_right_logical3A_122 : i32
      %mul3A_124 = arith.constant 4 : i32
      %mul3A_125 = arith.muli %shift_right_logical3A_123, %mul3A_124 : i32
      %and3A_126 = arith.constant 7 : i32
      %and3A_127 = arith.andi %scan3A_121, %and3A_126 : i32
      %mul3A_128 = arith.constant 16 : i32
      %mul3A_129 = arith.muli %and3A_127, %mul3A_128 : i32
      %mul3A_130 = arith.constant 16 : i32
      %mul3A_131 = arith.muli %scan3A_121, %mul3A_130 : i32
      %get3A_132 = arith.index_cast %mul3A_131 : i32 to index
      %get3A_133 = tpu.vector_load %arg5[%get3A_132] {strides = array<i32>} : memref<512xf32, #tpu.memory_space<vmem>>, vector<16xf32>,
      %mul3A_134 = arith.constant 3.200000e+01 : f32
      %mul3A_135 = vector.broadcast %mul3A_134 : f32 to vector<16xf32>
      %mul3A_136 = arith.mulf %get3A_133, %mul3A_135 : vector<16xf32>
      %add3A_137 = arith.constant -0.0380952395 : f32
      %add3A_138 = vector.broadcast %add3A_137 : f32 to vector<16xf32>
      %add3A_139 = arith.addf %mul3A_136, %add3A_138 : vector<16xf32>
      %convert_element_type3A_140 = arith.fptosi %add3A_139 : vector<16xf32> to vector<16xi32>
      %max3A_141 = arith.constant 0 : i32
      %max3A_142 = vector.broadcast %max3A_141 : i32 to vector<16xi32>
      %max3A_143 = arith.maxsi %convert_element_type3A_140, %max3A_142 : vector<16xi32>
      %min3A_144 = arith.constant 31 : i32
      %min3A_145 = vector.broadcast %min3A_144 : i32 to vector<16xi32>
      %min3A_146 = arith.minsi %max3A_143, %min3A_145 : vector<16xi32>
      %gather3A_147 = tpu.vector_load_idx %arg6[%and3A_4, %min3A_146] : memref<1x33xf32, #tpu.memory_space<vmem>>[vector<16xi32>, vector<16xi32>], vector<16xf32>,
      %add3A_148 = arith.constant 1 : i32
      %add3A_149 = vector.broadcast %add3A_148 : i32 to vector<16xi32>
      %add3A_150 = arith.addi %min3A_146, %add3A_149 : vector<16xi32>
      %gather3A_151 = tpu.vector_load_idx %arg6[%and3A_4, %add3A_150] : memref<1x33xf32, #tpu.memory_space<vmem>>[vector<16xi32>, vector<16xi32>], vector<16xf32>,
      %convert_element_type3A_152 = arith.sitofp %min3A_146 : vector<16xi32> to vector<16xf32>
      %sub3A_153 = arith.subf %add3A_139, %convert_element_type3A_152 : vector<16xf32>
      %sub3A_154 = arith.subf %gather3A_151, %gather3A_147 : vector<16xf32>
      %mul3A_155 = arith.mulf %sub3A_153, %sub3A_154 : vector<16xf32>
      %add3A_156 = arith.addf %gather3A_147, %mul3A_155 : vector<16xf32>
      %add3A_157 = arith.constant 0 : i32
      %add3A_158 = arith.addi %mul3A_125, %add3A_157 : i32
      %swap3A_159 = arith.index_cast %add3A_158 : i32 to index
      %swap3A_160 = arith.index_cast %mul3A_129 : i32 to index
      %swap3A_161 = tpu.vector_load %arg7[%swap3A_159, %swap3A_160] {strides = array<i32>} : memref<16x128xf32, #tpu.memory_space<vmem>>, vector<16xf32>,
      tpu.vector_store %arg7[%swap3A_159, %swap3A_160], %add3A_156 {strides = array<i32>} : memref<16x128xf32, #tpu.memory_space<vmem>>, vector<16xf32>,
      %add3A_162 = arith.constant -0.0126984129 : f32
      %add3A_163 = vector.broadcast %add3A_162 : f32 to vector<16xf32>
      %add3A_164 = arith.addf %mul3A_136, %add3A_163 : vector<16xf32>
      %convert_element_type3A_165 = arith.fptosi %add3A_164 : vector<16xf32> to vector<16xi32>
      %max3A_166 = arith.constant 0 : i32
      %max3A_167 = vector.broadcast %max3A_166 : i32 to vector<16xi32>
      %max3A_168 = arith.maxsi %convert_element_type3A_165, %max3A_167 : vector<16xi32>
      %min3A_169 = arith.constant 31 : i32
      %min3A_170 = vector.broadcast %min3A_169 : i32 to vector<16xi32>
      %min3A_171 = arith.minsi %max3A_168, %min3A_170 : vector<16xi32>
      %gather3A_172 = tpu.vector_load_idx %arg6[%and3A_4, %min3A_171] : memref<1x33xf32, #tpu.memory_space<vmem>>[vector<16xi32>, vector<16xi32>], vector<16xf32>,
      %add3A_173 = arith.constant 1 : i32
      %add3A_174 = vector.broadcast %add3A_173 : i32 to vector<16xi32>
      %add3A_175 = arith.addi %min3A_171, %add3A_174 : vector<16xi32>
      %gather3A_176 = tpu.vector_load_idx %arg6[%and3A_4, %add3A_175] : memref<1x33xf32, #tpu.memory_space<vmem>>[vector<16xi32>, vector<16xi32>], vector<16xf32>,
      %convert_element_type3A_177 = arith.sitofp %min3A_171 : vector<16xi32> to vector<16xf32>
      %sub3A_178 = arith.subf %add3A_164, %convert_element_type3A_177 : vector<16xf32>
      %sub3A_179 = arith.subf %gather3A_176, %gather3A_172 : vector<16xf32>
      %mul3A_180 = arith.mulf %sub3A_178, %sub3A_179 : vector<16xf32>
      %add3A_181 = arith.addf %gather3A_172, %mul3A_180 : vector<16xf32>
      %add3A_182 = arith.constant 1 : i32
      %add3A_183 = arith.addi %mul3A_125, %add3A_182 : i32
      %swap3A_184 = arith.index_cast %add3A_183 : i32 to index
      %swap3A_185 = arith.index_cast %mul3A_129 : i32 to index
      %swap3A_186 = tpu.vector_load %arg7[%swap3A_184, %swap3A_185] {strides = array<i32>} : memref<16x128xf32, #tpu.memory_space<vmem>>, vector<16xf32>,
      tpu.vector_store %arg7[%swap3A_184, %swap3A_185], %add3A_181 {strides = array<i32>} : memref<16x128xf32, #tpu.memory_space<vmem>>, vector<16xf32>,
      %add3A_187 = arith.constant 0.0126984129 : f32
      %add3A_188 = vector.broadcast %add3A_187 : f32 to vector<16xf32>
      %add3A_189 = arith.addf %mul3A_136, %add3A_188 : vector<16xf32>
      %convert_element_type3A_190 = arith.fptosi %add3A_189 : vector<16xf32> to vector<16xi32>
      %max3A_191 = arith.constant 0 : i32
      %max3A_192 = vector.broadcast %max3A_191 : i32 to vector<16xi32>
      %max3A_193 = arith.maxsi %convert_element_type3A_190, %max3A_192 : vector<16xi32>
      %min3A_194 = arith.constant 31 : i32
      %min3A_195 = vector.broadcast %min3A_194 : i32 to vector<16xi32>
      %min3A_196 = arith.minsi %max3A_193, %min3A_195 : vector<16xi32>
      %gather3A_197 = tpu.vector_load_idx %arg6[%and3A_4, %min3A_196] : memref<1x33xf32, #tpu.memory_space<vmem>>[vector<16xi32>, vector<16xi32>], vector<16xf32>,
      %add3A_198 = arith.constant 1 : i32
      %add3A_199 = vector.broadcast %add3A_198 : i32 to vector<16xi32>
      %add3A_200 = arith.addi %min3A_196, %add3A_199 : vector<16xi32>
      %gather3A_201 = tpu.vector_load_idx %arg6[%and3A_4, %add3A_200] : memref<1x33xf32, #tpu.memory_space<vmem>>[vector<16xi32>, vector<16xi32>], vector<16xf32>,
      %convert_element_type3A_202 = arith.sitofp %min3A_196 : vector<16xi32> to vector<16xf32>
      %sub3A_203 = arith.subf %add3A_189, %convert_element_type3A_202 : vector<16xf32>
      %sub3A_204 = arith.subf %gather3A_201, %gather3A_197 : vector<16xf32>
      %mul3A_205 = arith.mulf %sub3A_203, %sub3A_204 : vector<16xf32>
      %add3A_206 = arith.addf %gather3A_197, %mul3A_205 : vector<16xf32>
      %add3A_207 = arith.constant 2 : i32
      %add3A_208 = arith.addi %mul3A_125, %add3A_207 : i32
      %swap3A_209 = arith.index_cast %add3A_208 : i32 to index
      %swap3A_210 = arith.index_cast %mul3A_129 : i32 to index
      %swap3A_211 = tpu.vector_load %arg7[%swap3A_209, %swap3A_210] {strides = array<i32>} : memref<16x128xf32, #tpu.memory_space<vmem>>, vector<16xf32>,
      tpu.vector_store %arg7[%swap3A_209, %swap3A_210], %add3A_206 {strides = array<i32>} : memref<16x128xf32, #tpu.memory_space<vmem>>, vector<16xf32>,
      %add3A_212 = arith.constant 0.0380952395 : f32
      %add3A_213 = vector.broadcast %add3A_212 : f32 to vector<16xf32>
      %add3A_214 = arith.addf %mul3A_136, %add3A_213 : vector<16xf32>
      %convert_element_type3A_215 = arith.fptosi %add3A_214 : vector<16xf32> to vector<16xi32>
      %max3A_216 = arith.constant 0 : i32
      %max3A_217 = vector.broadcast %max3A_216 : i32 to vector<16xi32>
      %max3A_218 = arith.maxsi %convert_element_type3A_215, %max3A_217 : vector<16xi32>
      %min3A_219 = arith.constant 31 : i32
      %min3A_220 = vector.broadcast %min3A_219 : i32 to vector<16xi32>
      %min3A_221 = arith.minsi %max3A_218, %min3A_220 : vector<16xi32>
      %gather3A_222 = tpu.vector_load_idx %arg6[%and3A_4, %min3A_221] : memref<1x33xf32, #tpu.memory_space<vmem>>[vector<16xi32>, vector<16xi32>], vector<16xf32>,
      %add3A_223 = arith.constant 1 : i32
      %add3A_224 = vector.broadcast %add3A_223 : i32 to vector<16xi32>
      %add3A_225 = arith.addi %min3A_221, %add3A_224 : vector<16xi32>
      %gather3A_226 = tpu.vector_load_idx %arg6[%and3A_4, %add3A_225] : memref<1x33xf32, #tpu.memory_space<vmem>>[vector<16xi32>, vector<16xi32>], vector<16xf32>,
      %convert_element_type3A_227 = arith.sitofp %min3A_221 : vector<16xi32> to vector<16xf32>
      %sub3A_228 = arith.subf %add3A_214, %convert_element_type3A_227 : vector<16xf32>
      %sub3A_229 = arith.subf %gather3A_226, %gather3A_222 : vector<16xf32>
      %mul3A_230 = arith.mulf %sub3A_228, %sub3A_229 : vector<16xf32>
      %add3A_231 = arith.addf %gather3A_222, %mul3A_230 : vector<16xf32>
      %add3A_232 = arith.constant 3 : i32
      %add3A_233 = arith.addi %mul3A_125, %add3A_232 : i32
      %swap3A_234 = arith.index_cast %add3A_233 : i32 to index
      %swap3A_235 = arith.index_cast %mul3A_129 : i32 to index
      %swap3A_236 = tpu.vector_load %arg7[%swap3A_234, %swap3A_235] {strides = array<i32>} : memref<16x128xf32, #tpu.memory_space<vmem>>, vector<16xf32>,
      tpu.vector_store %arg7[%swap3A_234, %swap3A_235], %add3A_231 {strides = array<i32>} : memref<16x128xf32, #tpu.memory_space<vmem>>, vector<16xf32>,
      %scan3A_237 = arith.constant 2 : i32
      %scan3A_238 = arith.addi %scan3A_12, %scan3A_237 : i32
      %shift_right_logical3A_239 = arith.constant 3 : i32
      %shift_right_logical3A_240 = arith.shrui %scan3A_238, %shift_right_logical3A_239 : i32
      %mul3A_241 = arith.constant 4 : i32
      %mul3A_242 = arith.muli %shift_right_logical3A_240, %mul3A_241 : i32
      %and3A_243 = arith.constant 7 : i32
      %and3A_244 = arith.andi %scan3A_238, %and3A_243 : i32
      %mul3A_245 = arith.constant 16 : i32
      %mul3A_246 = arith.muli %and3A_244, %mul3A_245 : i32
      %mul3A_247 = arith.constant 16 : i32
      %mul3A_248 = arith.muli %scan3A_238, %mul3A_247 : i32
      %get3A_249 = arith.index_cast %mul3A_248 : i32 to index
      %get3A_250 = tpu.vector_load %arg5[%get3A_249] {strides = array<i32>} : memref<512xf32, #tpu.memory_space<vmem>>, vector<16xf32>,
      %mul3A_251 = arith.constant 3.200000e+01 : f32
      %mul3A_252 = vector.broadcast %mul3A_251 : f32 to vector<16xf32>
      %mul3A_253 = arith.mulf %get3A_250, %mul3A_252 : vector<16xf32>
      %add3A_254 = arith.constant -0.0380952395 : f32
      %add3A_255 = vector.broadcast %add3A_254 : f32 to vector<16xf32>
      %add3A_256 = arith.addf %mul3A_253, %add3A_255 : vector<16xf32>
      %convert_element_type3A_257 = arith.fptosi %add3A_256 : vector<16xf32> to vector<16xi32>
      %max3A_258 = arith.constant 0 : i32
      %max3A_259 = vector.broadcast %max3A_258 : i32 to vector<16xi32>
      %max3A_260 = arith.maxsi %convert_element_type3A_257, %max3A_259 : vector<16xi32>
      %min3A_261 = arith.constant 31 : i32
      %min3A_262 = vector.broadcast %min3A_261 : i32 to vector<16xi32>
      %min3A_263 = arith.minsi %max3A_260, %min3A_262 : vector<16xi32>
      %gather3A_264 = tpu.vector_load_idx %arg6[%and3A_4, %min3A_263] : memref<1x33xf32, #tpu.memory_space<vmem>>[vector<16xi32>, vector<16xi32>], vector<16xf32>,
      %add3A_265 = arith.constant 1 : i32
      %add3A_266 = vector.broadcast %add3A_265 : i32 to vector<16xi32>
      %add3A_267 = arith.addi %min3A_263, %add3A_266 : vector<16xi32>
      %gather3A_268 = tpu.vector_load_idx %arg6[%and3A_4, %add3A_267] : memref<1x33xf32, #tpu.memory_space<vmem>>[vector<16xi32>, vector<16xi32>], vector<16xf32>,
      %convert_element_type3A_269 = arith.sitofp %min3A_263 : vector<16xi32> to vector<16xf32>
      %sub3A_270 = arith.subf %add3A_256, %convert_element_type3A_269 : vector<16xf32>
      %sub3A_271 = arith.subf %gather3A_268, %gather3A_264 : vector<16xf32>
      %mul3A_272 = arith.mulf %sub3A_270, %sub3A_271 : vector<16xf32>
      %add3A_273 = arith.addf %gather3A_264, %mul3A_272 : vector<16xf32>
      %add3A_274 = arith.constant 0 : i32
      %add3A_275 = arith.addi %mul3A_242, %add3A_274 : i32
      %swap3A_276 = arith.index_cast %add3A_275 : i32 to index
      %swap3A_277 = arith.index_cast %mul3A_246 : i32 to index
      %swap3A_278 = tpu.vector_load %arg7[%swap3A_276, %swap3A_277] {strides = array<i32>} : memref<16x128xf32, #tpu.memory_space<vmem>>, vector<16xf32>,
      tpu.vector_store %arg7[%swap3A_276, %swap3A_277], %add3A_273 {strides = array<i32>} : memref<16x128xf32, #tpu.memory_space<vmem>>, vector<16xf32>,
      %add3A_279 = arith.constant -0.0126984129 : f32
      %add3A_280 = vector.broadcast %add3A_279 : f32 to vector<16xf32>
      %add3A_281 = arith.addf %mul3A_253, %add3A_280 : vector<16xf32>
      %convert_element_type3A_282 = arith.fptosi %add3A_281 : vector<16xf32> to vector<16xi32>
      %max3A_283 = arith.constant 0 : i32
      %max3A_284 = vector.broadcast %max3A_283 : i32 to vector<16xi32>
      %max3A_285 = arith.maxsi %convert_element_type3A_282, %max3A_284 : vector<16xi32>
      %min3A_286 = arith.constant 31 : i32
      %min3A_287 = vector.broadcast %min3A_286 : i32 to vector<16xi32>
      %min3A_288 = arith.minsi %max3A_285, %min3A_287 : vector<16xi32>
      %gather3A_289 = tpu.vector_load_idx %arg6[%and3A_4, %min3A_288] : memref<1x33xf32, #tpu.memory_space<vmem>>[vector<16xi32>, vector<16xi32>], vector<16xf32>,
      %add3A_290 = arith.constant 1 : i32
      %add3A_291 = vector.broadcast %add3A_290 : i32 to vector<16xi32>
      %add3A_292 = arith.addi %min3A_288, %add3A_291 : vector<16xi32>
      %gather3A_293 = tpu.vector_load_idx %arg6[%and3A_4, %add3A_292] : memref<1x33xf32, #tpu.memory_space<vmem>>[vector<16xi32>, vector<16xi32>], vector<16xf32>,
      %convert_element_type3A_294 = arith.sitofp %min3A_288 : vector<16xi32> to vector<16xf32>
      %sub3A_295 = arith.subf %add3A_281, %convert_element_type3A_294 : vector<16xf32>
      %sub3A_296 = arith.subf %gather3A_293, %gather3A_289 : vector<16xf32>
      %mul3A_297 = arith.mulf %sub3A_295, %sub3A_296 : vector<16xf32>
      %add3A_298 = arith.addf %gather3A_289, %mul3A_297 : vector<16xf32>
      %add3A_299 = arith.constant 1 : i32
      %add3A_300 = arith.addi %mul3A_242, %add3A_299 : i32
      %swap3A_301 = arith.index_cast %add3A_300 : i32 to index
      %swap3A_302 = arith.index_cast %mul3A_246 : i32 to index
      %swap3A_303 = tpu.vector_load %arg7[%swap3A_301, %swap3A_302] {strides = array<i32>} : memref<16x128xf32, #tpu.memory_space<vmem>>, vector<16xf32>,
      tpu.vector_store %arg7[%swap3A_301, %swap3A_302], %add3A_298 {strides = array<i32>} : memref<16x128xf32, #tpu.memory_space<vmem>>, vector<16xf32>,
      %add3A_304 = arith.constant 0.0126984129 : f32
      %add3A_305 = vector.broadcast %add3A_304 : f32 to vector<16xf32>
      %add3A_306 = arith.addf %mul3A_253, %add3A_305 : vector<16xf32>
      %convert_element_type3A_307 = arith.fptosi %add3A_306 : vector<16xf32> to vector<16xi32>
      %max3A_308 = arith.constant 0 : i32
      %max3A_309 = vector.broadcast %max3A_308 : i32 to vector<16xi32>
      %max3A_310 = arith.maxsi %convert_element_type3A_307, %max3A_309 : vector<16xi32>
      %min3A_311 = arith.constant 31 : i32
      %min3A_312 = vector.broadcast %min3A_311 : i32 to vector<16xi32>
      %min3A_313 = arith.minsi %max3A_310, %min3A_312 : vector<16xi32>
      %gather3A_314 = tpu.vector_load_idx %arg6[%and3A_4, %min3A_313] : memref<1x33xf32, #tpu.memory_space<vmem>>[vector<16xi32>, vector<16xi32>], vector<16xf32>,
      %add3A_315 = arith.constant 1 : i32
      %add3A_316 = vector.broadcast %add3A_315 : i32 to vector<16xi32>
      %add3A_317 = arith.addi %min3A_313, %add3A_316 : vector<16xi32>
      %gather3A_318 = tpu.vector_load_idx %arg6[%and3A_4, %add3A_317] : memref<1x33xf32, #tpu.memory_space<vmem>>[vector<16xi32>, vector<16xi32>], vector<16xf32>,
      %convert_element_type3A_319 = arith.sitofp %min3A_313 : vector<16xi32> to vector<16xf32>
      %sub3A_320 = arith.subf %add3A_306, %convert_element_type3A_319 : vector<16xf32>
      %sub3A_321 = arith.subf %gather3A_318, %gather3A_314 : vector<16xf32>
      %mul3A_322 = arith.mulf %sub3A_320, %sub3A_321 : vector<16xf32>
      %add3A_323 = arith.addf %gather3A_314, %mul3A_322 : vector<16xf32>
      %add3A_324 = arith.constant 2 : i32
      %add3A_325 = arith.addi %mul3A_242, %add3A_324 : i32
      %swap3A_326 = arith.index_cast %add3A_325 : i32 to index
      %swap3A_327 = arith.index_cast %mul3A_246 : i32 to index
      %swap3A_328 = tpu.vector_load %arg7[%swap3A_326, %swap3A_327] {strides = array<i32>} : memref<16x128xf32, #tpu.memory_space<vmem>>, vector<16xf32>,
      tpu.vector_store %arg7[%swap3A_326, %swap3A_327], %add3A_323 {strides = array<i32>} : memref<16x128xf32, #tpu.memory_space<vmem>>, vector<16xf32>,
      %add3A_329 = arith.constant 0.0380952395 : f32
      %add3A_330 = vector.broadcast %add3A_329 : f32 to vector<16xf32>
      %add3A_331 = arith.addf %mul3A_253, %add3A_330 : vector<16xf32>
      %convert_element_type3A_332 = arith.fptosi %add3A_331 : vector<16xf32> to vector<16xi32>
      %max3A_333 = arith.constant 0 : i32
      %max3A_334 = vector.broadcast %max3A_333 : i32 to vector<16xi32>
      %max3A_335 = arith.maxsi %convert_element_type3A_332, %max3A_334 : vector<16xi32>
      %min3A_336 = arith.constant 31 : i32
      %min3A_337 = vector.broadcast %min3A_336 : i32 to vector<16xi32>
      %min3A_338 = arith.minsi %max3A_335, %min3A_337 : vector<16xi32>
      %gather3A_339 = tpu.vector_load_idx %arg6[%and3A_4, %min3A_338] : memref<1x33xf32, #tpu.memory_space<vmem>>[vector<16xi32>, vector<16xi32>], vector<16xf32>,
      %add3A_340 = arith.constant 1 : i32
      %add3A_341 = vector.broadcast %add3A_340 : i32 to vector<16xi32>
      %add3A_342 = arith.addi %min3A_338, %add3A_341 : vector<16xi32>
      %gather3A_343 = tpu.vector_load_idx %arg6[%and3A_4, %add3A_342] : memref<1x33xf32, #tpu.memory_space<vmem>>[vector<16xi32>, vector<16xi32>], vector<16xf32>,
      %convert_element_type3A_344 = arith.sitofp %min3A_338 : vector<16xi32> to vector<16xf32>
      %sub3A_345 = arith.subf %add3A_331, %convert_element_type3A_344 : vector<16xf32>
      %sub3A_346 = arith.subf %gather3A_343, %gather3A_339 : vector<16xf32>
      %mul3A_347 = arith.mulf %sub3A_345, %sub3A_346 : vector<16xf32>
      %add3A_348 = arith.addf %gather3A_339, %mul3A_347 : vector<16xf32>
      %add3A_349 = arith.constant 3 : i32
      %add3A_350 = arith.addi %mul3A_242, %add3A_349 : i32
      %swap3A_351 = arith.index_cast %add3A_350 : i32 to index
      %swap3A_352 = arith.index_cast %mul3A_246 : i32 to index
      %swap3A_353 = tpu.vector_load %arg7[%swap3A_351, %swap3A_352] {strides = array<i32>} : memref<16x128xf32, #tpu.memory_space<vmem>>, vector<16xf32>,
      tpu.vector_store %arg7[%swap3A_351, %swap3A_352], %add3A_348 {strides = array<i32>} : memref<16x128xf32, #tpu.memory_space<vmem>>, vector<16xf32>,
      %scan3A_354 = arith.constant 3 : i32
      %scan3A_355 = arith.addi %scan3A_12, %scan3A_354 : i32
      %shift_right_logical3A_356 = arith.constant 3 : i32
      %shift_right_logical3A_357 = arith.shrui %scan3A_355, %shift_right_logical3A_356 : i32
      %mul3A_358 = arith.constant 4 : i32
      %mul3A_359 = arith.muli %shift_right_logical3A_357, %mul3A_358 : i32
      %and3A_360 = arith.constant 7 : i32
      %and3A_361 = arith.andi %scan3A_355, %and3A_360 : i32
      %mul3A_362 = arith.constant 16 : i32
      %mul3A_363 = arith.muli %and3A_361, %mul3A_362 : i32
      %mul3A_364 = arith.constant 16 : i32
      %mul3A_365 = arith.muli %scan3A_355, %mul3A_364 : i32
      %get3A_366 = arith.index_cast %mul3A_365 : i32 to index
      %get3A_367 = tpu.vector_load %arg5[%get3A_366] {strides = array<i32>} : memref<512xf32, #tpu.memory_space<vmem>>, vector<16xf32>,
      %mul3A_368 = arith.constant 3.200000e+01 : f32
      %mul3A_369 = vector.broadcast %mul3A_368 : f32 to vector<16xf32>
      %mul3A_370 = arith.mulf %get3A_367, %mul3A_369 : vector<16xf32>
      %add3A_371 = arith.constant -0.0380952395 : f32
      %add3A_372 = vector.broadcast %add3A_371 : f32 to vector<16xf32>
      %add3A_373 = arith.addf %mul3A_370, %add3A_372 : vector<16xf32>
      %convert_element_type3A_374 = arith.fptosi %add3A_373 : vector<16xf32> to vector<16xi32>
      %max3A_375 = arith.constant 0 : i32
      %max3A_376 = vector.broadcast %max3A_375 : i32 to vector<16xi32>
      %max3A_377 = arith.maxsi %convert_element_type3A_374, %max3A_376 : vector<16xi32>
      %min3A_378 = arith.constant 31 : i32
      %min3A_379 = vector.broadcast %min3A_378 : i32 to vector<16xi32>
      %min3A_380 = arith.minsi %max3A_377, %min3A_379 : vector<16xi32>
      %gather3A_381 = tpu.vector_load_idx %arg6[%and3A_4, %min3A_380] : memref<1x33xf32, #tpu.memory_space<vmem>>[vector<16xi32>, vector<16xi32>], vector<16xf32>,
      %add3A_382 = arith.constant 1 : i32
      %add3A_383 = vector.broadcast %add3A_382 : i32 to vector<16xi32>
      %add3A_384 = arith.addi %min3A_380, %add3A_383 : vector<16xi32>
      %gather3A_385 = tpu.vector_load_idx %arg6[%and3A_4, %add3A_384] : memref<1x33xf32, #tpu.memory_space<vmem>>[vector<16xi32>, vector<16xi32>], vector<16xf32>,
      %convert_element_type3A_386 = arith.sitofp %min3A_380 : vector<16xi32> to vector<16xf32>
      %sub3A_387 = arith.subf %add3A_373, %convert_element_type3A_386 : vector<16xf32>
      %sub3A_388 = arith.subf %gather3A_385, %gather3A_381 : vector<16xf32>
      %mul3A_389 = arith.mulf %sub3A_387, %sub3A_388 : vector<16xf32>
      %add3A_390 = arith.addf %gather3A_381, %mul3A_389 : vector<16xf32>
      %add3A_391 = arith.constant 0 : i32
      %add3A_392 = arith.addi %mul3A_359, %add3A_391 : i32
      %swap3A_393 = arith.index_cast %add3A_392 : i32 to index
      %swap3A_394 = arith.index_cast %mul3A_363 : i32 to index
      %swap3A_395 = tpu.vector_load %arg7[%swap3A_393, %swap3A_394] {strides = array<i32>} : memref<16x128xf32, #tpu.memory_space<vmem>>, vector<16xf32>,
      tpu.vector_store %arg7[%swap3A_393, %swap3A_394], %add3A_390 {strides = array<i32>} : memref<16x128xf32, #tpu.memory_space<vmem>>, vector<16xf32>,
      %add3A_396 = arith.constant -0.0126984129 : f32
      %add3A_397 = vector.broadcast %add3A_396 : f32 to vector<16xf32>
      %add3A_398 = arith.addf %mul3A_370, %add3A_397 : vector<16xf32>
      %convert_element_type3A_399 = arith.fptosi %add3A_398 : vector<16xf32> to vector<16xi32>
      %max3A_400 = arith.constant 0 : i32
      %max3A_401 = vector.broadcast %max3A_400 : i32 to vector<16xi32>
      %max3A_402 = arith.maxsi %convert_element_type3A_399, %max3A_401 : vector<16xi32>
      %min3A_403 = arith.constant 31 : i32
      %min3A_404 = vector.broadcast %min3A_403 : i32 to vector<16xi32>
      %min3A_405 = arith.minsi %max3A_402, %min3A_404 : vector<16xi32>
      %gather3A_406 = tpu.vector_load_idx %arg6[%and3A_4, %min3A_405] : memref<1x33xf32, #tpu.memory_space<vmem>>[vector<16xi32>, vector<16xi32>], vector<16xf32>,
      %add3A_407 = arith.constant 1 : i32
      %add3A_408 = vector.broadcast %add3A_407 : i32 to vector<16xi32>
      %add3A_409 = arith.addi %min3A_405, %add3A_408 : vector<16xi32>
      %gather3A_410 = tpu.vector_load_idx %arg6[%and3A_4, %add3A_409] : memref<1x33xf32, #tpu.memory_space<vmem>>[vector<16xi32>, vector<16xi32>], vector<16xf32>,
      %convert_element_type3A_411 = arith.sitofp %min3A_405 : vector<16xi32> to vector<16xf32>
      %sub3A_412 = arith.subf %add3A_398, %convert_element_type3A_411 : vector<16xf32>
      %sub3A_413 = arith.subf %gather3A_410, %gather3A_406 : vector<16xf32>
      %mul3A_414 = arith.mulf %sub3A_412, %sub3A_413 : vector<16xf32>
      %add3A_415 = arith.addf %gather3A_406, %mul3A_414 : vector<16xf32>
      %add3A_416 = arith.constant 1 : i32
      %add3A_417 = arith.addi %mul3A_359, %add3A_416 : i32
      %swap3A_418 = arith.index_cast %add3A_417 : i32 to index
      %swap3A_419 = arith.index_cast %mul3A_363 : i32 to index
      %swap3A_420 = tpu.vector_load %arg7[%swap3A_418, %swap3A_419] {strides = array<i32>} : memref<16x128xf32, #tpu.memory_space<vmem>>, vector<16xf32>,
      tpu.vector_store %arg7[%swap3A_418, %swap3A_419], %add3A_415 {strides = array<i32>} : memref<16x128xf32, #tpu.memory_space<vmem>>, vector<16xf32>,
      %add3A_421 = arith.constant 0.0126984129 : f32
      %add3A_422 = vector.broadcast %add3A_421 : f32 to vector<16xf32>
      %add3A_423 = arith.addf %mul3A_370, %add3A_422 : vector<16xf32>
      %convert_element_type3A_424 = arith.fptosi %add3A_423 : vector<16xf32> to vector<16xi32>
      %max3A_425 = arith.constant 0 : i32
      %max3A_426 = vector.broadcast %max3A_425 : i32 to vector<16xi32>
      %max3A_427 = arith.maxsi %convert_element_type3A_424, %max3A_426 : vector<16xi32>
      %min3A_428 = arith.constant 31 : i32
      %min3A_429 = vector.broadcast %min3A_428 : i32 to vector<16xi32>
      %min3A_430 = arith.minsi %max3A_427, %min3A_429 : vector<16xi32>
      %gather3A_431 = tpu.vector_load_idx %arg6[%and3A_4, %min3A_430] : memref<1x33xf32, #tpu.memory_space<vmem>>[vector<16xi32>, vector<16xi32>], vector<16xf32>,
      %add3A_432 = arith.constant 1 : i32
      %add3A_433 = vector.broadcast %add3A_432 : i32 to vector<16xi32>
      %add3A_434 = arith.addi %min3A_430, %add3A_433 : vector<16xi32>
      %gather3A_435 = tpu.vector_load_idx %arg6[%and3A_4, %add3A_434] : memref<1x33xf32, #tpu.memory_space<vmem>>[vector<16xi32>, vector<16xi32>], vector<16xf32>,
      %convert_element_type3A_436 = arith.sitofp %min3A_430 : vector<16xi32> to vector<16xf32>
      %sub3A_437 = arith.subf %add3A_423, %convert_element_type3A_436 : vector<16xf32>
      %sub3A_438 = arith.subf %gather3A_435, %gather3A_431 : vector<16xf32>
      %mul3A_439 = arith.mulf %sub3A_437, %sub3A_438 : vector<16xf32>
      %add3A_440 = arith.addf %gather3A_431, %mul3A_439 : vector<16xf32>
      %add3A_441 = arith.constant 2 : i32
      %add3A_442 = arith.addi %mul3A_359, %add3A_441 : i32
      %swap3A_443 = arith.index_cast %add3A_442 : i32 to index
      %swap3A_444 = arith.index_cast %mul3A_363 : i32 to index
      %swap3A_445 = tpu.vector_load %arg7[%swap3A_443, %swap3A_444] {strides = array<i32>} : memref<16x128xf32, #tpu.memory_space<vmem>>, vector<16xf32>,
      tpu.vector_store %arg7[%swap3A_443, %swap3A_444], %add3A_440 {strides = array<i32>} : memref<16x128xf32, #tpu.memory_space<vmem>>, vector<16xf32>,
      %add3A_446 = arith.constant 0.0380952395 : f32
      %add3A_447 = vector.broadcast %add3A_446 : f32 to vector<16xf32>
      %add3A_448 = arith.addf %mul3A_370, %add3A_447 : vector<16xf32>
      %convert_element_type3A_449 = arith.fptosi %add3A_448 : vector<16xf32> to vector<16xi32>
      %max3A_450 = arith.constant 0 : i32
      %max3A_451 = vector.broadcast %max3A_450 : i32 to vector<16xi32>
      %max3A_452 = arith.maxsi %convert_element_type3A_449, %max3A_451 : vector<16xi32>
      %min3A_453 = arith.constant 31 : i32
      %min3A_454 = vector.broadcast %min3A_453 : i32 to vector<16xi32>
      %min3A_455 = arith.minsi %max3A_452, %min3A_454 : vector<16xi32>
      %gather3A_456 = tpu.vector_load_idx %arg6[%and3A_4, %min3A_455] : memref<1x33xf32, #tpu.memory_space<vmem>>[vector<16xi32>, vector<16xi32>], vector<16xf32>,
      %add3A_457 = arith.constant 1 : i32
      %add3A_458 = vector.broadcast %add3A_457 : i32 to vector<16xi32>
      %add3A_459 = arith.addi %min3A_455, %add3A_458 : vector<16xi32>
      %gather3A_460 = tpu.vector_load_idx %arg6[%and3A_4, %add3A_459] : memref<1x33xf32, #tpu.memory_space<vmem>>[vector<16xi32>, vector<16xi32>], vector<16xf32>,
      %convert_element_type3A_461 = arith.sitofp %min3A_455 : vector<16xi32> to vector<16xf32>
      %sub3A_462 = arith.subf %add3A_448, %convert_element_type3A_461 : vector<16xf32>
      %sub3A_463 = arith.subf %gather3A_460, %gather3A_456 : vector<16xf32>
      %mul3A_464 = arith.mulf %sub3A_462, %sub3A_463 : vector<16xf32>
      %add3A_465 = arith.addf %gather3A_456, %mul3A_464 : vector<16xf32>
      %add3A_466 = arith.constant 3 : i32
      %add3A_467 = arith.addi %mul3A_359, %add3A_466 : i32
      %swap3A_468 = arith.index_cast %add3A_467 : i32 to index
      %swap3A_469 = arith.index_cast %mul3A_363 : i32 to index
      %swap3A_470 = tpu.vector_load %arg7[%swap3A_468, %swap3A_469] {strides = array<i32>} : memref<16x128xf32, #tpu.memory_space<vmem>>, vector<16xf32>,
      tpu.vector_store %arg7[%swap3A_468, %swap3A_469], %add3A_465 {strides = array<i32>} : memref<16x128xf32, #tpu.memory_space<vmem>>, vector<16xf32>,
    }
    %scan3A_9 = arith.constant 32 : i32
    %mul3A_10 = arith.constant 16 : i32
    %mul3A_11 = arith.muli %add3A, %mul3A_10 : i32
    "tpu.region"() ({
      %run_scoped3A = tpu.sem_alloc : memref<!tpu.dma_semaphore, #tpu.memory_space<semaphore_mem>>
      %dma_start3A = arith.constant 0 : i32
      %dma_start3A_12 = tpu.memref_slice %arg4[%mul3A_11, %dma_start3A] : memref<512x128xf32, #tpu.memory_space<hbm>> -> memref<16x128xf32, #tpu.memory_space<hbm>>
      %dma_start3A_13 = arith.constant 0 : i32
      %dma_start3A_14 = tpu.memref_slice %arg4[%mul3A_11, %dma_start3A_13] : memref<512x128xf32, #tpu.memory_space<hbm>> -> memref<16x128xf32, #tpu.memory_space<hbm>>
      tpu.enqueue_dma source(%arg7 : memref<16x128xf32, #tpu.memory_space<vmem>>) target(%dma_start3A_14 : memref<16x128xf32, #tpu.memory_space<hbm>>) target_semaphore(%run_scoped3A : memref<!tpu.dma_semaphore, #tpu.memory_space<semaphore_mem>>)
      %dma_wait3A = arith.constant 0 : i32
      %dma_wait3A_15 = tpu.memref_slice %arg4[%mul3A_11, %dma_wait3A] : memref<512x128xf32, #tpu.memory_space<hbm>> -> memref<16x128xf32, #tpu.memory_space<hbm>>
      %dma_wait3A_16 = arith.constant 0 : i32
      %dma_wait3A_17 = tpu.memref_slice %arg4[%mul3A_11, %dma_wait3A_16] : memref<512x128xf32, #tpu.memory_space<hbm>> -> memref<16x128xf32, #tpu.memory_space<hbm>>
      tpu.wait_dma2 semaphore(%run_scoped3A : memref<!tpu.dma_semaphore, #tpu.memory_space<semaphore_mem>>) src(%arg7 : memref<16x128xf32, #tpu.memory_space<vmem>>) dst(%dma_wait3A_17 : memref<16x128xf32, #tpu.memory_space<hbm>>)
      tpu.yield
    }) : () -> ()
    return
  }
}

</mosaic_0001>

<sc_bundles>
// kernel: kernel.3.cloned.1.call-start
scs
__scs_entry_jumppad:
0x0: {  	(pc) =	sbr.rel $0x88, $3  }
0x1: {  	(tag) =	ssettag $0x0;
	lr =	simm.s32 $0x1  }
0x2: {  	[smem:$0x3F9F] =	sst lr;
	_ =	strace $0xD0000000  }
0x3: {  	_ = 	snop  }
0x4: {  	_ = 	snop  }
0x5: {  	_ = 	snop  }
0x6: {  	_ = 	snop  }
0x7: {  	_ = 	snop  }
__scs_overlays_trampoline_lowered:
0x8: {  	[smem:$0x3FAE] =	sst s0  }
0x9: {  	[smem:$0x3FAF] =	sst s1  }
0xa: {  	[smem:$0x3FB0] =	sst s2  }
0xb: {  	[smem:$0x3FB1] =	sst s3  }
0xc: {  	[smem:$0x3FB2] =	sst s4  }
0xd: {  	[smem:$0x3FB3] =	sst s5  }
0xe: {  	[smem:$0x3FB4] =	sst s6  }
0xf: {  	[smem:$0x3FB5] =	sst s7  }
0x10: {  	[smem:$0x3FB6] =	sst s8  }
0x11: {  	[smem:$0x3FB7] =	sst s9;
	s0 =	simm.s32 @!p0 $0x0  }
0x12: {  	s1 =	sld [smem:$0x3F9D];
	s0 =	simm.s32 @p0 $0x1  }
0x13: {  	[smem:$0x3FB8] =	sst s0;
	s0 =	simm.s32 @!p1 $0x0  }
0x14: {  	s2 =	sld [smem:$0x3F9C];
	s0 =	simm.s32 @p1 $0x1  }
0x15: {  	[smem:$0x3FB9] =	sst s0;
	s0 =	simm.s32 @!p2 $0x0  }
0x16: {  	s3 =	sld [smem:$0x3FDB];
	s0 =	simm.s32 @p2 $0x1  }
0x17: {  	s4 =	simm.s32 $0x1BF5;
	[smem:$0x3FBB] =	sst s0  }
0x18: {  	s0 =	sld [smem:$0x3F9E];
	_ =	swait.ge [sflag:s4], $0x0  }
0x19: {  	s7 =	sld [smem:$0x3F9F]  }
0x1a: {  	s8 =	sadd.s32 $0xFFFFE003, lr  }
0x1b: {  	s9 =	sadd.s32 $0xFFFFFEF7, lr;
	s5 =	simm.s32 $0xFFFFFFFF;
	p2 =	slt.u32 s8, $0xFFFFF086  }
0x1c: {  	p1 =	slt.u32 s9, $0xF7A;
	s5 =	simm.s32 @!p2 $0x0  }
0x1d: {  	s5 =	simm.s32 @p1 $0x1;
	p0 =	seq.s32 s7, s2  }
0x1e: {  	s7 =	smul.u32 @!p0 $0xF7A, s2;
	p2 =	seq.s32 @!p0 s5, $0x0  }
0x1f: {  	s9 =	smul.u32 $0xF7A, s1;
	s8 =	simm.s32 @!p0 $0x1BF5;
	p2 =	por !p2, p0  }
0x20: {  	[sflag:s8] =	ssyncset.s32 @!p0 $0xFFFFF086;
	s6 =	sadd.s32 @!p0 s3, s7;
	s7 =	simm.s32 @!p0 $0x108  }
0x21: {  	s3 =	sadd.s32 s3, s9;
	s6 =	sadd.s32 @!p0 $0x88, s6;
	s7 =	simm.s32 @p2 $0x1082  }
0x22: {  	[simem:s7], [sflag:s8] =	dma.local @!p0 [hbm:s6], $0xF7A  }
0x23: {  	s9 =	sor.u32 $0xD0000000, s2;
	s6 =	simm.s32 $0x108;
	_ =	swait.ge @!p0 [sflag:s8], $0x0  }
0x24: {  	s3 =	sadd.s32 $0x88, s3;
	s6 =	simm.s32 @!p1 $0x1082;
	[sflag:s4] =	ssyncset.s32 $0xFFFFF086  }
0x25: {  	[simem:s6], [sflag:s4] =	dma.local [hbm:s3], $0xF7A  }
0x26: {  	[smem:$0x3F9F] =	sst s1;
	(tag) =	ssettag s2;
	_ =	strace s9  }
0x27: {  	s1 =	sld [smem:$0x3FAF]  }
0x28: {  	s2 =	sld [smem:$0x3FB0]  }
0x29: {  	s4 =	sld [smem:$0x3FB2]  }
0x2a: {  	p0 =	seq.s32 s5, $0x0;
	s5 =	sld [smem:$0x3FB3]  }
0x2b: {  	s6 =	sld [smem:$0x3FB4]  }
0x2c: {  	s7 =	sld [smem:$0x3FB5]  }
0x2d: {  	s3 =	simm.s32 $0x108;
	s8 =	sld [smem:$0x3FB6]  }
0x2e: {  	s3 =	simm.s32 @!p0 $0x1082;
	s9 =	sld [smem:$0x3FB7]  }
0x2f: {  	lr =	sadd.s32 s0, s3;
	s0 =	sld [smem:$0x3FAE]  }
0x30: {  	s3 =	sld [smem:$0x3FB1]  }
0x31: {  	[smem:$0x3FBA] =	sst s10  }
0x32: {  	s10 =	sld [smem:$0x3FB8];
	_ =	sdelay $0x3  }
0x33: {  	p0 =	seq.s32 s10, $0x1;
	s10 =	sld [smem:$0x3FBA];
	_ =	sdelay $0x3  }
0x34: {  	[smem:$0x3FBA] =	sst s10  }
0x35: {  	s10 =	sld [smem:$0x3FB9];
	_ =	sdelay $0x3  }
0x36: {  	p1 =	seq.s32 s10, $0x1;
	s10 =	sld [smem:$0x3FBA];
	_ =	sdelay $0x3  }
0x37: {  	[smem:$0x3FBA] =	sst s10  }
0x38: {  	s10 =	sld [smem:$0x3FBB]  }
0x39: {  	_ = 	snop;
	(pc) =	sbr.ind lr, $3  }
0x3a: {  	_ = 	snop  }
0x3b: {  	_ = 	snop  }
0x3c: {  	p2 =	seq.s32 s10, $0x1;
	s10 =	sld [smem:$0x3FBA]  }
0x3d: {  	_ =	shalt  }
0x3e: {  	_ =	shalt  }
0x3f: {  	_ =	shalt  }
0x40: {  	_ =	shalt  }
0x41: {  	_ =	shalt  }
0x42: {  	_ =	shalt  }
0x43: {  	_ =	shalt  }
0x44: {  	_ =	shalt  }
0x45: {  	_ =	shalt  }
0x46: {  	_ =	shalt  }
0x47: {  	_ =	shalt  }
0x48: {  	_ =	shalt  }
0x49: {  	_ =	shalt  }
0x4a: {  	_ =	shalt  }
0x4b: {  	_ =	shalt  }
0x4c: {  	_ =	shalt  }
0x4d: {  	_ =	shalt  }
0x4e: {  	_ =	shalt  }
0x4f: {  	_ =	shalt  }
0x50: {  	_ =	shalt  }
0x51: {  	_ =	shalt  }
0x52: {  	_ =	shalt  }
0x53: {  	_ =	shalt  }
0x54: {  	_ =	shalt  }
0x55: {  	_ =	shalt  }
0x56: {  	_ =	shalt  }
0x57: {  	_ =	shalt  }
0x58: {  	_ =	shalt  }
0x59: {  	_ =	shalt  }
0x5a: {  	_ =	shalt  }
0x5b: {  	_ =	shalt  }
0x5c: {  	_ =	shalt  }
0x5d: {  	_ =	shalt  }
0x5e: {  	_ =	shalt  }
0x5f: {  	_ =	shalt  }
0x60: {  	_ =	shalt  }
0x61: {  	_ =	shalt  }
0x62: {  	_ =	shalt  }
0x63: {  	_ =	shalt  }
0x64: {  	_ =	shalt  }
0x65: {  	_ =	shalt  }
0x66: {  	_ =	shalt  }
0x67: {  	_ =	shalt  }
0x68: {  	_ =	shalt  }
0x69: {  	_ =	shalt  }
0x6a: {  	_ =	shalt  }
0x6b: {  	_ =	shalt  }
0x6c: {  	_ =	shalt  }
0x6d: {  	_ =	shalt  }
0x6e: {  	_ =	shalt  }
0x6f: {  	_ =	shalt  }
0x70: {  	_ =	shalt  }
0x71: {  	_ =	shalt  }
0x72: {  	_ =	shalt  }
0x73: {  	_ =	shalt  }
0x74: {  	_ =	shalt  }
0x75: {  	_ =	shalt  }
0x76: {  	_ =	shalt  }
0x77: {  	_ =	shalt  }
0x78: {  	_ =	shalt  }
0x79: {  	_ =	shalt  }
0x7a: {  	_ =	shalt  }
0x7b: {  	_ =	shalt  }
0x7c: {  	_ =	shalt  }
0x7d: {  	_ =	shalt  }
0x7e: {  	_ =	shalt  }
0x7f: {  	_ =	shalt  }
0x80: {  	_ =	shalt  }
0x81: {  	_ =	shalt  }
0x82: {  	_ =	shalt  }
0x83: {  	_ =	shalt  }
0x84: {  	_ =	shalt  }
0x85: {  	_ =	shalt  }
0x86: {  	_ =	shalt  }
0x87: {  	_ =	shalt  }
.Lfunc_end0:
.L_simem_size_0:
called_computation_lowered:
.L_overlay_start_0:
0x88: {  	s2 =	sld [smem:$0x3FD9]  }
0x89: {  	s3 =	sld [smem:$0x3FFE];
	_ =	sdelay $0x1  }
0x8a: {  	s1 =	srdreg.scid  }
0x8b: {  	s0 =	sand.u32 $0x1, s1  }
0x8c: {  	s18 =	sshll.u32 s0, $0xA;
	s2 =	sadd.s32 s3, s2  }
0x8d: {  	s2 =	sadd.s32 s2, s18  }
0x8e: {  	[smem:$0x3FC6] =	sst s2  }
0x8f: {  	_ = 	snop  }
0x90: {  	s2 =	sld [smem:$0x3FC9]  }
0x91: {  	s19 =	sld [smem:$0x3FC8]  }
0x92: {  	s4 =	sld [smem:$0x3FD0];
	(tm) =	ssettm $0x1  }
0x93: {  	s5 =	sld [smem:$0x3FFB];
	_ =	sdelay $0x3  }
0x94: {  	_ =	strace s5  }
0x95: {  	s5 =	sld [smem:$0x3FFC];
	_ =	sdelay $0x3  }
0x96: {  	_ =	strace s5  }
0x97: {  	s5 =	sld [smem:$0x3FFD];
	_ =	sdelay $0x3  }
0x98: {  	_ =	strace s5  }
0x99: {  	_ =	strace $0x8FFFFFFF  }
0x9a: {  	s20 =	sld [smem:$0x3FDB];
	_ =	sdelay $0x1  }
0x9b: {  	s6 =	simm.s32 $_scs_section_size  }
0x9c: {  	s7 =	simm.s32 $_size__tile_overlayer_lowered;
	s8 =	simm.s32 $_tile_overlayer_lowered  }
0x9d: {  	s23 =	simm.s32 $0x1BFF;
	s22 =	sshll.u32 s8, $0x1;
	s5 =	sadd.s32 s6, s20  }
0x9e: {  	s9 =	simm.s32 $0x0;
	s21 =	sshll.u32 s7, $0x1;
	s7 =	sadd.s32 s22, s5  }
0x9f: {  	[timem:s9], [sflag:s23] =	dma.local [hbm:s7], s21  }
0xa0: {  	_ =	swait.ge [sflag:s23], s21  }
0xa1: {  	s6 =	ssub.s32 $0x0, s21;
	[sflag:s23] =	ssyncset.done $0x0  }
0xa2: {  	[sflag:s23] =	ssyncadd.s32 s6;
	_ =	sdelay $0x1  }
0xa3: {  	s24 =	simm.s32 $0x1B8B  }
0xa4: {  	_ =	swait.ge [sflag:s24], $0x1  }
0xa5: {  	[sflag:s24] =	ssyncset.done $0x0  }
0xa6: {  	s25 =	simm.s32 $0x1B8E;
	[sflag:s24] =	ssyncadd.s32 $0xFFFFFFFF  }
0xa7: {  	s26 =	simm.s32 $execute0_lowered;
	[smem:$0x3FD2] =	sst s25  }
0xa8: {  	s6 =	sshll.u32 s26, $0x1;
	_ =	strace $0x80000046;
	[dreg:$0x1] =	wrdreg $0xFFFFFFFF  }
0xa9: {  	s28 =	simm.s32 $_size_execute0_lowered;
	s5 =	sadd.s32 s5, s6;
	[dreg:$0x0] =	wrdreg $0x0  }
0xaa: {  	s6 =	sshll.u32 s28, $0x1;
	[dreg:$0x2] =	wrdreg s5  }
0xab: {  	[dreg:$0x3] =	wrdreg s6  }
0xac: {  	[dreg:$0x4] =	wrdreg $0xC0  }
0xad: {  	_ =	task [dreg:s9], $0x5FFFF  }
0xae: {  	[dreg:$0x1] =	wrdreg $0xFFFFFFFF  }
0xaf: {  	[dreg:$0x0] =	wrdreg $0x60  }
0xb0: {  	[dreg:$0x2] =	wrdreg s2  }
0xb1: {  	[dreg:$0x3] =	wrdreg s19  }
0xb2: {  	[dreg:$0x4] =	wrdreg s4  }
0xb3: {  	[dreg:$0x5] =	wrdreg $0x9  }
0xb4: {  	_ =	task.clear_ibuf [dreg:s9], $0x6FFFF;
	_ =	strace $0x90000046  }
0xb5: {  	s29 =	simm.s32 $0x9;
	_ =	strace $0x80000048  }
0xb6: {  	_ =	swait.ge [sflag:s29], $0x1  }
0xb7: {  	[sflag:s29] =	ssyncadd.s32 $0xFFFFFFFF  }
0xb8: {  	_ =	strace $0x90000048  }
0xb9: {  	_ =	sfence  }
0xba: {  	s30 =	sld [smem:$0x0];
	_ =	sdelay $0x2  }
0xbb: {  	s31 =	sshll.u32 s1, $0xD;
	s1 =	sshrl.u32 s1, $0x2  }
0xbc: {  	s3 =	sand.u32 $0x4000, s31;
	s1 =	sadd.s32 s1, s30  }
0xbd: {  	s0 =	sor.u32 s3, s0;
	s1 =	sshll.u32 s1, $0x11  }
0xbe: {  	s0 =	sor.u32 s1, s0  }
0xbf: {  	s0 =	sadd.s32 $0x8F2B, s0  }
0xc0: {  	[sflag:s0] =	ssyncadd.remote.s32 $0x1  }
0xc1: {  	_ =	sfence.sel $0xFFFF  }
0xc2: {  	[dreg:$0x0] =	wrdreg $0xFFFFFFFF;
	(pc) =	sbr.abs _section_cstart, $3  }
0xc3: {  	[dreg:$0x1] =	wrdreg $0xFFFFFFFF  }
0xc4: {  	_ =	task.clear_ibuf [dreg:s9], $0x2FFFF;
	_ =	strace $0x9FFFFFFF  }
0xc5: {  	(tm) =	ssettm $0x7FFFFFFF  }
tec
execute0_lowered:
.L_overlay_start_1:
0x0: {  	(tag) =	ssettag $0x1  }
0x1: {  	s4 =	rddreg [dreg:$0x0]  }
0x2: {  	s2 =	rddreg [dreg:$0x1]  }
0x3: {  	s5 =	rddreg [dreg:$0x2]  }
0x4: {  	s0 =	rddreg [dreg:$0x3]  }
0x5: {  	s6 =	srdreg.scid;
	s1 =	stileid.u32  }
0x6: {  	s3 =	simm.s32 $0x0;
	s10 =	simm.s32 $0x0;
	s6 =	sand.u32 $0x1, s6  }
0x7: {  	s7 =	sshll.u32 s1, $0x1;
	[smem:$0x7FF] =	sst s3;
	s8 =	ssub.s32 $0x2, s6  }
0x8: {  	s6 =	sor.u32 s6, s7;
	_ =	strace $0x80000047;
	s31 =	sshrl.u32 s8, $0x1  }
0x9: {  	s9 =	sshll.u32 s6, $0x6;
	s6 =	sshll.u32 s6, $0x8;
	s7 =	ssub.s32 s8, s31  }
0xa: {  	s4 =	sadd.s32 s4, s9;
	s5 =	sadd.s32 s5, s6;
	s8 =	simm.s32 $0x200  }
0xb: {  	s9 =	simm.s32 $0x280;
	s6 =	smax.u32 s7, $0x1;
	s7 =	simm.s32 $0x1  }
.LBB2_1:
0xc: {  	[tilespmem:s3], [sflag:$0x1] =	stream.linear.gather [hbm4b:s4+s3], $0x200, $0x38;
	[tilespmem:$0xA80] =	vst v63  }
0xd: {  	_ =	swait.ge [sflag:s7], $0x200  }
0xe: {  	[sflag:s7] =	ssyncset.done $0x0  }
0xf: {  	s11 =	simm.s32 $0xFFFFFFFC;
	[sflag:s7] =	ssyncadd.s32 $0xFFFFFE00  }
0x10: {  	[tilespmem:s8], [sflag:$0x1] =	stream.linear.gather [hbm4b:s2+s3], $0x80, $0x38;
	[tilespmem:$0xA80] =	vst v63  }
0x11: {  	s12 =	simm.s32 $0x30;
	p0 =	por $0x0, $0x0;
	_ =	swait.ge [sflag:s7], $0x80  }
0x12: {  	s13 =	simm.s32 $0x0;
	s14 =	simm.s32 $0x0;
	[sflag:s7] =	ssyncset.done $0x0  }
0x13: {  	s15 =	simm.s32 $0x0;
	s16 =	simm.s32 $0x0;
	[sflag:s7] =	ssyncadd.s32 $0xFFFFFF80  }
.LBB2_2:
0x14: {  	s17 =	sshra.s32 s15, $0x2  }
0x15: {  	v0 =	vld [tilespmem:s17+$0x0];
	_ =	sdelay $0x4  }
0x16: {  	v0 =	vmul.f32 $3.200000000e+01, v0;
	_ =	sdelay $0x1  }
0x17: {  	v1 =	vadd.f32 $-3.809523950e-02, v0;
	_ =	sdelay $0x1  }
0x18: {  	v2 =	vtrunc.f32 v1  }
0x19: {  	v2 =	vcvt.f32.s32 v2;
	_ =	sdelay $0x1  }
0x1a: {  	vm0 =	vgt.s32 v2, $0x0  }
0x1b: {  	v2 =	vnsel vm0, $0x0, v2  }
0x1c: {  	v2 =	vmin.u32 v2, $0x1F  }
0x1d: {  	v3 =	vadd.s32 $0x1, v2;
	_ =	sdelay $0x3  }
0x1e: {  	v4 =	vld.idx.msk [tilespmem:v2+s8+$0x0], $0xffff  }
0x1f: {  	v5 =	vadd.f32 $-1.269841290e-02, v0;
	v3 =	vld.idx.msk [tilespmem:v3+s8+$0x0], $0xffff;
	_ =	sdelay $0x1  }
0x20: {  	v6 =	vtrunc.f32 v5  }
0x21: {  	v6 =	vcvt.f32.s32 v6;
	v2 =	vcvt.s32.f32 v2;
	_ =	sdelay $0x1  }
0x22: {  	vm13 =	vgt.s32 v6, $0x0;
	v1 =	vsub.f32 v1, v2;
	v54 =	vsub.f32 v3, v4  }
0x23: {  	v55 =	vnsel vm13, $0x0, v6  }
0x24: {  	s18 =	sand.u32 $0x1800, s16;
	v56 =	vmin.u32 v55, $0x1F;
	v1 =	vmul.f32 v1, v54  }
0x25: {  	s19 =	sadd.s32 $0xFFFFFFD0, s12;
	s18 =	sshrl.u32 s18, $0x2;
	v3 =	vadd.s32 $0x1, v56  }
0x26: {  	s20 =	sand.u32 $0x40, s19;
	s18 =	sadd.s32 $0x280, s18;
	v1 =	vadd.f32 v1, v4  }
0x27: {  	s20 =	sor.u32 s20, s18  }
0x28: {  	[tilespmem:s20+$0x0] =	vst v1  }
0x29: {  	v1 =	vld.idx.msk [tilespmem:v56+s8+$0x0], $0xffff  }
0x2a: {  	v57 =	vadd.f32 $1.269841290e-02, v0;
	v3 =	vld.idx.msk [tilespmem:v3+s8+$0x0], $0xffff;
	_ =	sdelay $0x1  }
0x2b: {  	v58 =	vtrunc.f32 v57  }
0x2c: {  	v6 =	vcvt.f32.s32 v58;
	v2 =	vcvt.s32.f32 v56;
	_ =	sdelay $0x1  }
0x2d: {  	vm14 =	vgt.s32 v6, $0x0;
	v2 =	vsub.f32 v5, v2;
	v3 =	vsub.f32 v3, v1  }
0x2e: {  	v59 =	vnsel vm14, $0x0, v6  }
0x2f: {  	v60 =	vmin.u32 v59, $0x1F;
	v2 =	vmul.f32 v2, v3  }
0x30: {  	v5 =	vadd.s32 $0x1, v60  }
0x31: {  	v1 =	vadd.f32 v2, v1;
	_ =	sdelay $0x1  }
0x32: {  	[tilespmem:s20+$0x80] =	vst v1  }
0x33: {  	v1 =	vld.idx.msk [tilespmem:v60+s8+$0x0], $0xffff  }
0x34: {  	v0 =	vadd.f32 $3.809523950e-02, v0;
	v61 =	vld.idx.msk [tilespmem:v5+s8+$0x0], $0xffff;
	_ =	sdelay $0x1  }
0x35: {  	v62 =	vtrunc.f32 v0  }
0x36: {  	v3 =	vcvt.s32.f32 v60;
	v5 =	vcvt.f32.s32 v62;
	_ =	sdelay $0x1  }
0x37: {  	v3 =	vsub.f32 v57, v3;
	vm15 =	vgt.s32 v5, $0x0;
	v2 =	vsub.f32 v61, v1  }
0x38: {  	s20 =	simm.s32 $0x1;
	v63 =	vnsel vm15, $0x0, v5  }
0x39: {  	s20 =	simm.s32 @!p0 $0x0;
	v8 =	vmin.u32 v63, $0x1F;
	v2 =	vmul.f32 v2, v3  }
0x3a: {  	s20 =	sshll.u32 s20, $0x6;
	v4 =	vadd.s32 $0x1, v8  }
0x3b: {  	s20 =	sadd.s32 s20, s15;
	v1 =	vadd.f32 v2, v1  }
0x3c: {  	s20 =	sor.u32 $0x100, s20  }
0x3d: {  	[tilespmem:s20+$0x280] =	vst v1  }
0x3e: {  	v1 =	vld.idx.msk [tilespmem:v8+s8+$0x0], $0xffff  }
0x3f: {  	v9 =	vld.idx.msk [tilespmem:v4+s8+$0x0], $0xffff;
	_ =	sdelay $0x2  }
0x40: {  	v3 =	vcvt.s32.f32 v8;
	_ =	sdelay $0x1  }
0x41: {  	v0 =	vsub.f32 v0, v3;
	v2 =	vsub.f32 v9, v1;
	_ =	sdelay $0x1  }
0x42: {  	v0 =	vmul.f32 v2, v0;
	_ =	sdelay $0x1  }
0x43: {  	s19 =	sor.u32 s19, s15;
	v0 =	vadd.f32 v0, v1  }
0x44: {  	s19 =	sor.u32 $0x180, s19  }
0x45: {  	[tilespmem:s19+$0x280] =	vst v0  }
0x46: {  	v0 =	vld [tilespmem:s17+$0x10];
	_ =	sdelay $0x4  }
0x47: {  	v0 =	vmul.f32 $3.200000000e+01, v0;
	_ =	sdelay $0x1  }
0x48: {  	v10 =	vadd.f32 $-3.809523950e-02, v0;
	_ =	sdelay $0x1  }
0x49: {  	v11 =	vtrunc.f32 v10  }
0x4a: {  	v2 =	vcvt.f32.s32 v11;
	_ =	sdelay $0x1  }
0x4b: {  	vm4 =	vgt.s32 v2, $0x0  }
0x4c: {  	v2 =	vnsel vm4, $0x0, v2  }
0x4d: {  	v2 =	vmin.u32 v2, $0x1F  }
0x4e: {  	v12 =	vadd.s32 $0x1, v2;
	_ =	sdelay $0x3  }
0x4f: {  	v13 =	vld.idx.msk [tilespmem:v2+s8+$0x0], $0xffff  }
0x50: {  	v14 =	vadd.f32 $-1.269841290e-02, v0;
	v3 =	vld.idx.msk [tilespmem:v12+s8+$0x0], $0xffff;
	_ =	sdelay $0x1  }
0x51: {  	v15 =	vtrunc.f32 v14  }
0x52: {  	v6 =	vcvt.f32.s32 v15;
	v2 =	vcvt.s32.f32 v2;
	_ =	sdelay $0x1  }
0x53: {  	vm5 =	vgt.s32 v6, $0x0;
	v1 =	vsub.f32 v10, v2;
	v16 =	vsub.f32 v3, v13  }
0x54: {  	v17 =	vnsel vm5, $0x0, v6  }
0x55: {  	v18 =	vmin.u32 v17, $0x1F;
	v1 =	vmul.f32 v1, v16  }
0x56: {  	s22 =	sadd.s32 $0xFFFFFFE0, s12;
	v3 =	vadd.s32 $0x1, v18  }
0x57: {  	s23 =	sand.u32 $0x50, s22;
	v1 =	vadd.f32 v1, v13  }
0x58: {  	s19 =	sor.u32 s23, s18  }
0x59: {  	[tilespmem:s19+$0x0] =	vst v1  }
0x5a: {  	v1 =	vld.idx.msk [tilespmem:v18+s8+$0x0], $0xffff  }
0x5b: {  	v19 =	vadd.f32 $1.269841290e-02, v0;
	v3 =	vld.idx.msk [tilespmem:v3+s8+$0x0], $0xffff;
	_ =	sdelay $0x1  }
0x5c: {  	v20 =	vtrunc.f32 v19  }
0x5d: {  	v6 =	vcvt.f32.s32 v20;
	v2 =	vcvt.s32.f32 v18;
	_ =	sdelay $0x1  }
0x5e: {  	vm6 =	vgt.s32 v6, $0x0;
	v2 =	vsub.f32 v14, v2;
	v3 =	vsub.f32 v3, v1  }
0x5f: {  	v21 =	vnsel vm6, $0x0, v6  }
0x60: {  	v22 =	vmin.u32 v21, $0x1F;
	v2 =	vmul.f32 v2, v3  }
0x61: {  	v5 =	vadd.s32 $0x1, v22  }
0x62: {  	v1 =	vadd.f32 v2, v1;
	_ =	sdelay $0x1  }
0x63: {  	[tilespmem:s19+$0x80] =	vst v1  }
0x64: {  	v1 =	vld.idx.msk [tilespmem:v22+s8+$0x0], $0xffff  }
0x65: {  	v0 =	vadd.f32 $3.809523950e-02, v0;
	v23 =	vld.idx.msk [tilespmem:v5+s8+$0x0], $0xffff;
	_ =	sdelay $0x1  }
0x66: {  	v24 =	vtrunc.f32 v0  }
0x67: {  	v3 =	vcvt.s32.f32 v22;
	v5 =	vcvt.f32.s32 v24;
	_ =	sdelay $0x1  }
0x68: {  	v3 =	vsub.f32 v19, v3;
	vm7 =	vgt.s32 v5, $0x0;
	v2 =	vsub.f32 v23, v1  }
0x69: {  	s24 =	sand.u32 $0x7, s14;
	v25 =	vnsel vm7, $0x0, v5  }
0x6a: {  	s19 =	sshll.u32 s24, $0x4;
	v26 =	vmin.u32 v25, $0x1F;
	v2 =	vmul.f32 v2, v3  }
0x6b: {  	s19 =	sadd.s32 s15, s19;
	v4 =	vadd.s32 $0x1, v26  }
0x6c: {  	s21 =	sadd.s32 $0x10, s19;
	v1 =	vadd.f32 v2, v1  }
0x6d: {  	s21 =	sor.u32 $0x100, s21  }
0x6e: {  	[tilespmem:s21+$0x280] =	vst v1  }
0x6f: {  	v1 =	vld.idx.msk [tilespmem:v26+s8+$0x0], $0xffff  }
0x70: {  	v27 =	vld.idx.msk [tilespmem:v4+s8+$0x0], $0xffff;
	_ =	sdelay $0x2  }
0x71: {  	v3 =	vcvt.s32.f32 v26;
	_ =	sdelay $0x1  }
0x72: {  	v0 =	vsub.f32 v0, v3;
	v2 =	vsub.f32 v27, v1;
	_ =	sdelay $0x1  }
0x73: {  	v0 =	vmul.f32 v2, v0;
	_ =	sdelay $0x1  }
0x74: {  	s20 =	sor.u32 s22, s15;
	v0 =	vadd.f32 v0, v1  }
0x75: {  	s20 =	sor.u32 $0x180, s20  }
0x76: {  	[tilespmem:s20+$0x280] =	vst v0  }
0x77: {  	v0 =	vld [tilespmem:s17+$0x20];
	_ =	sdelay $0x4  }
0x78: {  	v0 =	vmul.f32 $3.200000000e+01, v0;
	_ =	sdelay $0x1  }
0x79: {  	v28 =	vadd.f32 $-3.809523950e-02, v0;
	_ =	sdelay $0x1  }
0x7a: {  	v29 =	vtrunc.f32 v28  }
0x7b: {  	v2 =	vcvt.f32.s32 v29;
	_ =	sdelay $0x1  }
0x7c: {  	vm8 =	vgt.s32 v2, $0x0  }
0x7d: {  	v2 =	vnsel vm8, $0x0, v2  }
0x7e: {  	v2 =	vmin.u32 v2, $0x1F  }
0x7f: {  	v30 =	vadd.s32 $0x1, v2;
	_ =	sdelay $0x3  }
0x80: {  	v31 =	vld.idx.msk [tilespmem:v2+s8+$0x0], $0xffff  }
0x81: {  	v32 =	vadd.f32 $-1.269841290e-02, v0;
	v3 =	vld.idx.msk [tilespmem:v30+s8+$0x0], $0xffff;
	_ =	sdelay $0x1  }
0x82: {  	v33 =	vtrunc.f32 v32  }
0x83: {  	v6 =	vcvt.f32.s32 v33;
	v2 =	vcvt.s32.f32 v2;
	_ =	sdelay $0x1  }
0x84: {  	vm9 =	vgt.s32 v6, $0x0;
	v1 =	vsub.f32 v28, v2;
	v34 =	vsub.f32 v3, v31  }
0x85: {  	v35 =	vnsel vm9, $0x0, v6  }
0x86: {  	v36 =	vmin.u32 v35, $0x1F;
	v1 =	vmul.f32 v1, v34  }
0x87: {  	s25 =	sadd.s32 $0xFFFFFFF0, s12;
	v3 =	vadd.s32 $0x1, v36  }
0x88: {  	s26 =	sand.u32 $0x60, s25;
	v1 =	vadd.f32 v1, v31  }
0x89: {  	s21 =	sor.u32 s26, s18  }
0x8a: {  	[tilespmem:s21+$0x0] =	vst v1  }
0x8b: {  	v1 =	vld.idx.msk [tilespmem:v36+s8+$0x0], $0xffff  }
0x8c: {  	v37 =	vadd.f32 $1.269841290e-02, v0;
	v3 =	vld.idx.msk [tilespmem:v3+s8+$0x0], $0xffff;
	_ =	sdelay $0x1  }
0x8d: {  	v38 =	vtrunc.f32 v37  }
0x8e: {  	v6 =	vcvt.f32.s32 v38;
	v2 =	vcvt.s32.f32 v36;
	_ =	sdelay $0x1  }
0x8f: {  	vm10 =	vgt.s32 v6, $0x0;
	v2 =	vsub.f32 v32, v2;
	v3 =	vsub.f32 v3, v1  }
0x90: {  	v39 =	vnsel vm10, $0x0, v6  }
0x91: {  	v40 =	vmin.u32 v39, $0x1F;
	v2 =	vmul.f32 v2, v3  }
0x92: {  	v5 =	vadd.s32 $0x1, v40  }
0x93: {  	v1 =	vadd.f32 v2, v1;
	_ =	sdelay $0x1  }
0x94: {  	[tilespmem:s21+$0x80] =	vst v1  }
0x95: {  	v1 =	vld.idx.msk [tilespmem:v40+s8+$0x0], $0xffff  }
0x96: {  	v0 =	vadd.f32 $3.809523950e-02, v0;
	v41 =	vld.idx.msk [tilespmem:v5+s8+$0x0], $0xffff;
	_ =	sdelay $0x1  }
0x97: {  	v42 =	vtrunc.f32 v0  }
0x98: {  	v3 =	vcvt.s32.f32 v40;
	v5 =	vcvt.f32.s32 v42;
	_ =	sdelay $0x1  }
0x99: {  	v3 =	vsub.f32 v37, v3;
	vm11 =	vgt.s32 v5, $0x0;
	v2 =	vsub.f32 v41, v1  }
0x9a: {  	s28 =	sand.u32 $0x3, s13;
	v43 =	vnsel vm11, $0x0, v5  }
0x9b: {  	s21 =	sshll.u32 s28, $0x5;
	v44 =	vmin.u32 v43, $0x1F;
	v2 =	vmul.f32 v2, v3  }
0x9c: {  	s21 =	sadd.s32 s15, s21;
	v4 =	vadd.s32 $0x1, v44  }
0x9d: {  	s21 =	sadd.s32 $0x20, s21;
	v1 =	vadd.f32 v2, v1  }
0x9e: {  	s21 =	sor.u32 $0x100, s21  }
0x9f: {  	[tilespmem:s21+$0x280] =	vst v1  }
0xa0: {  	v1 =	vld.idx.msk [tilespmem:v44+s8+$0x0], $0xffff  }
0xa1: {  	v45 =	vld.idx.msk [tilespmem:v4+s8+$0x0], $0xffff;
	_ =	sdelay $0x2  }
0xa2: {  	v3 =	vcvt.s32.f32 v44;
	_ =	sdelay $0x1  }
0xa3: {  	v0 =	vsub.f32 v0, v3;
	v2 =	vsub.f32 v45, v1;
	_ =	sdelay $0x1  }
0xa4: {  	v0 =	vmul.f32 v2, v0;
	_ =	sdelay $0x1  }
0xa5: {  	s20 =	sor.u32 s25, s15;
	v0 =	vadd.f32 v0, v1  }
0xa6: {  	s20 =	sor.u32 $0x180, s20  }
0xa7: {  	[tilespmem:s20+$0x280] =	vst v0  }
0xa8: {  	v0 =	vld [tilespmem:s17+$0x30];
	_ =	sdelay $0x4  }
0xa9: {  	v0 =	vmul.f32 $3.200000000e+01, v0;
	_ =	sdelay $0x1  }
0xaa: {  	v46 =	vadd.f32 $-3.809523950e-02, v0;
	_ =	sdelay $0x1  }
0xab: {  	v47 =	vtrunc.f32 v46  }
0xac: {  	v2 =	vcvt.f32.s32 v47;
	_ =	sdelay $0x1  }
0xad: {  	vm12 =	vgt.s32 v2, $0x0  }
0xae: {  	v2 =	vnsel vm12, $0x0, v2  }
0xaf: {  	v2 =	vmin.u32 v2, $0x1F  }
0xb0: {  	v48 =	vadd.s32 $0x1, v2;
	_ =	sdelay $0x3  }
0xb1: {  	v49 =	vld.idx.msk [tilespmem:v2+s8+$0x0], $0xffff  }
0xb2: {  	v50 =	vadd.f32 $-1.269841290e-02, v0;
	v3 =	vld.idx.msk [tilespmem:v48+s8+$0x0], $0xffff;
	_ =	sdelay $0x1  }
0xb3: {  	v51 =	vtrunc.f32 v50  }
0xb4: {  	v6 =	vcvt.f32.s32 v51;
	v2 =	vcvt.s32.f32 v2;
	_ =	sdelay $0x1  }
0xb5: {  	vm13 =	vgt.s32 v6, $0x0;
	v1 =	vsub.f32 v46, v2;
	v52 =	vsub.f32 v3, v49  }
0xb6: {  	v53 =	vnsel vm13, $0x0, v6  }
0xb7: {  	v54 =	vmin.u32 v53, $0x1F;
	v1 =	vmul.f32 v1, v52  }
0xb8: {  	v3 =	vadd.s32 $0x1, v54  }
0xb9: {  	s29 =	sand.u32 $0x70, s12;
	v1 =	vadd.f32 v1, v49  }
0xba: {  	s17 =	sor.u32 s29, s18  }
0xbb: {  	[tilespmem:s17+$0x0] =	vst v1  }
0xbc: {  	v1 =	vld.idx.msk [tilespmem:v54+s8+$0x0], $0xffff  }
0xbd: {  	v55 =	vadd.f32 $1.269841290e-02, v0;
	v3 =	vld.idx.msk [tilespmem:v3+s8+$0x0], $0xffff;
	_ =	sdelay $0x1  }
0xbe: {  	v56 =	vtrunc.f32 v55  }
0xbf: {  	v6 =	vcvt.f32.s32 v56;
	v2 =	vcvt.s32.f32 v54;
	_ =	sdelay $0x1  }
0xc0: {  	vm14 =	vgt.s32 v6, $0x0;
	v2 =	vsub.f32 v50, v2;
	v3 =	vsub.f32 v3, v1  }
0xc1: {  	v57 =	vnsel vm14, $0x0, v6  }
0xc2: {  	v58 =	vmin.u32 v57, $0x1F;
	v2 =	vmul.f32 v2, v3  }
0xc3: {  	v5 =	vadd.s32 $0x1, v58  }
0xc4: {  	v1 =	vadd.f32 v2, v1;
	_ =	sdelay $0x1  }
0xc5: {  	[tilespmem:s17+$0x80] =	vst v1  }
0xc6: {  	v1 =	vld.idx.msk [tilespmem:v58+s8+$0x0], $0xffff  }
0xc7: {  	v0 =	vadd.f32 $3.809523950e-02, v0;
	v59 =	vld.idx.msk [tilespmem:v5+s8+$0x0], $0xffff;
	_ =	sdelay $0x1  }
0xc8: {  	v60 =	vtrunc.f32 v0  }
0xc9: {  	v3 =	vcvt.s32.f32 v58;
	v5 =	vcvt.f32.s32 v60;
	_ =	sdelay $0x1  }
0xca: {  	v3 =	vsub.f32 v55, v3;
	vm15 =	vgt.s32 v5, $0x0;
	v2 =	vsub.f32 v59, v1  }
0xcb: {  	v61 =	vnsel vm15, $0x0, v5  }
0xcc: {  	v62 =	vmin.u32 v61, $0x1F;
	v2 =	vmul.f32 v2, v3  }
0xcd: {  	v4 =	vadd.s32 $0x1, v62  }
0xce: {  	s30 =	sadd.s32 $0x30, s19;
	v1 =	vadd.f32 v2, v1  }
0xcf: {  	s17 =	sor.u32 $0x100, s30  }
0xd0: {  	[tilespmem:s17+$0x280] =	vst v1  }
0xd1: {  	v1 =	vld.idx.msk [tilespmem:v62+s8+$0x0], $0xffff  }
0xd2: {  	v63 =	vld.idx.msk [tilespmem:v4+s8+$0x0], $0xffff;
	_ =	sdelay $0x2  }
0xd3: {  	v3 =	vcvt.s32.f32 v62;
	_ =	sdelay $0x1  }
0xd4: {  	s11 =	sadd.s32 $0x4, s11;
	v0 =	vsub.f32 v0, v3;
	v2 =	vsub.f32 v63, v1  }
0xd5: {  	p1 =	slt.u32 s11, $0x1C  }
.Ltmp0:
0xd6: {  	v0 =	vmul.f32 v2, v0;
	(pc) =	sbr.rel @p1 .LBB2_2-.Ltmp0, $4  }
0xd7: {  	_ = 	snop  }
0xd8: {  	s31 =	sor.u32 s12, s15;
	s16 =	sadd.s32 $0x400, s16;
	v0 =	vadd.f32 v0, v1  }
0xd9: {  	s12 =	sadd.s32 $0x40, s12;
	s14 =	sadd.s32 $0x4, s14;
	s17 =	sor.u32 $0x180, s31  }
0xda: {  	s13 =	sadd.s32 $0x2, s13;
	p0 =	por !p0, !p0;
	s15 =	sadd.s32 $0x100, s15;
	[tilespmem:s17+$0x280] =	vst v0  }
0xdb: {  	s10 =	sadd.s32 $0x1, s10  }
0xdc: {  	p0 =	sne.s32 s10, s6  }
.Ltmp1:
0xdd: {  	_ = 	snop;
	(pc) =	sbr.rel @p0 .LBB2_1-.Ltmp1, $4  }
0xde: {  	[hbm4b:s5+s3] =	stream.linear.scatter [tilespmem:s9], [sflag:$0x1], $0x800, $0x38;
	[tilespmem:$0xA80] =	vst v63  }
0xdf: {  	_ =	swait.ge [sflag:s7], $0x800  }
0xe0: {  	[sflag:s7] =	ssyncset.done $0x0  }
0xe1: {  	[sflag:s7] =	ssyncadd.s32 $0xFFFFF800  }
0xe2: {  	_ =	sfence.sel $0x180000  }
0xe3: {  	[bflag:$0x0] =	sbarrier.arrive $0xFFFF  }
0xe4: {  	p0 =	sne.s32 s1, $0x0;
	_ =	strace $0x90000047  }
0xe5: {  	s0 =	sadd.s32 @!p0 $0x100000, s0;
	[bflag:$0x2] =	sbarrier.arrive $0xFFFF  }
0xe6: {  	[sflag:s0] =	ssyncadd.tile.s32 @!p0 $0x1;
	_ =	shalt  }
.Lfunc_end2:
_tile_overlayer_lowered:
.L_overlay_start_2:
0xe7: {  	(tag) =	ssettag $0x2  }
0xe8: {  	s0 =	rddreg [dreg:$0x0];
	s2 =	stileid.u32  }
0xe9: {  	s1 =	rddreg [dreg:$0x1];
	p0 =	sne.s32 s2, $0x0  }
0xea: {  	s3 =	rddreg [dreg:$0x2];
	[bflag:$0x3] =	sbarrier.arrive $0xFFFF;
	s2 =	simm.s32 @!p0 $0x1C01  }
0xeb: {  	[timem:s3], [sflag:s2] =	dma.local @!p0 [hbm:s0], s1  }
0xec: {  	s0 =	simm.s32 @!p0 $0x1  }
0xed: {  	_ =	swait.ge @!p0 [sflag:s0], s1  }
0xee: {  	s1 =	ssub.s32 @!p0 $0x0, s1;
	[sflag:s0] =	ssyncset.done @!p0 $0x0  }
0xef: {  	[sflag:s0] =	ssyncadd.s32 @!p0 s1  }
0xf0: {  	[bflag:$0x3] =	sbarrier.arrive $0xFFFF  }
0xf1: {  	_ =	shalt  }

</sc_bundles>
